<compile_context>
chip_gen: v7x
topology: tpu7x:2x2x1
jax: 0.10.2.dev20260603
libtpu: 0.0.44.dev20260713+nightly
codegen_flags: <defaults>
</compile_context>

<pallas_src>
import functools

import jax
import jax.numpy as jnp
from jax import lax
from jax.experimental import pallas as pl
from jax.experimental.pallas import tpu as pltpu
from jax.experimental.pallas import tpu_sc as plsc

DIM = 32
NE = 8192
NROWS = 16384
R = 512
CB = 2048
RB = 256

NC = 2
NS = 16
NW = NC * NS
BPW = NROWS // NW


def _dist_kernel(z_ref, zsq_ref, e_ref, esq_ref, idx_ref, mv_ref):
    zb = z_ref[...].astype(jnp.float32)
    zsq = zsq_ref[...][:, None]

    def body(c, carry):
        run_m, run_i = carry
        et = e_ref[pl.ds(c * CB, CB), :]
        esq = esq_ref[pl.ds(c * CB, CB)]
        dot = lax.dot_general(zb, et, (((1,), (1,)), ((), ())),
                              precision=jax.lax.Precision.HIGHEST,
                              preferred_element_type=jnp.float32)
        d = (zsq + esq[None, :]) - 2.0 * dot
        m = jnp.min(d, axis=1)
        ii = jnp.min(
            jnp.where(d == m[:, None],
                      lax.broadcasted_iota(jnp.int32, (R, CB), 1),
                      jnp.int32(2 ** 30)),
            axis=1) + c * CB
        take = m < run_m
        return (jnp.where(take, m, run_m), jnp.where(take, ii, run_i))

    init = (jnp.full((R,), jnp.inf, jnp.float32), jnp.zeros((R,), jnp.int32))
    run_m, run_i = lax.fori_loop(0, NE // CB, body, init)
    idx_ref[...] = run_i
    mv_ref[...] = run_m


def _fin_kernel(idx_ref, zp_ref, zqw_ref, zqst_ref, hist_ref, loss_ref, perp_ref):
    i = pl.program_id(0)
    nb = pl.num_programs(0)
    zp = zp_ref[...]
    w = zqw_ref[...]
    c = (idx_ref[...] & 3)[:, None]
    zq = jnp.where(
        c == 0, w[:, 0:DIM],
        jnp.where(c == 1, w[:, DIM:2 * DIM],
                  jnp.where(c == 2, w[:, 2 * DIM:3 * DIM], w[:, 3 * DIM:])))
    zq = zq.astype(jnp.bfloat16).astype(jnp.float32)
    zqst_ref[...] = zp + (zq - zp)
    dif = zq - zp
    s = jnp.sum(dif * dif)
    idxb = idx_ref[...]
    onehot = jnp.where(
        idxb[:, None] == lax.broadcasted_iota(jnp.int32, (RB, NE), 1),
        1.0, 0.0)
    hsum = jnp.sum(onehot, axis=0)

    @pl.when(i == 0)
    def _init():
        hist_ref[...] = jnp.zeros((NE,), jnp.float32)
        loss_ref[...] = jnp.zeros((1, 1), jnp.float32)
        perp_ref[...] = jnp.zeros((1, 1), jnp.float32)

    hist_ref[...] += hsum
    loss_ref[...] = loss_ref[...] + s

    @pl.when(i == nb - 1)
    def _fin():
        e_mean = hist_ref[...] * (1.0 / NROWS)
        ent = jnp.sum(e_mean * jnp.log(e_mean + 1e-10))
        perp_ref[...] = jnp.broadcast_to(jnp.exp(-ent), (1, 1))
        m = loss_ref[...] / (NROWS * DIM)
        loss_ref[...] = m + 0.25 * m


@functools.cache
def _make_sc_gather():
    mesh = plsc.VectorSubcoreMesh(core_axis_name="c", subcore_axis_name="s")

    @functools.partial(
        pl.kernel,
        mesh=mesh,
        out_type=jax.ShapeDtypeStruct((NROWS, 4 * DIM), jnp.float32),
        scratch_types=[
            pltpu.VMEM((BPW // 128, 128), jnp.int32),
            pltpu.VMEM((BPW // 128, 128), jnp.int32),
            pltpu.VMEM((BPW, 4 * DIM), jnp.float32),
            pltpu.SemaphoreType.DMA,
        ],
    )
    def _sc_gather(idx_hbm, table_hbm, out_hbm, idx_v, idx4_v, rows_v, sem):
        wid = lax.axis_index("s") * NC + lax.axis_index("c")
        nrow = BPW // 128
        pltpu.sync_copy(idx_hbm.at[pl.ds(wid * nrow, nrow)], idx_v)
        for j in range(nrow):
            for k in range(128 // 16):
                v = idx_v[j, pl.ds(k * 16, 16)]
                idx4_v[j, pl.ds(k * 16, 16)] = v >> 2
        for j in range(nrow):
            pltpu.async_copy(table_hbm.at[idx4_v.at[j]],
                             rows_v.at[pl.ds(j * 128, 128)], sem).wait()
        pltpu.sync_copy(rows_v, out_hbm.at[pl.ds(wid * BPW, BPW)])

    return _sc_gather


def kernel(z, embed_weight):
    zp = jnp.transpose(z, (0, 2, 3, 1)).reshape(NROWS, DIM)

    zsq = jnp.sum(zp ** 2, axis=1)
    esq = jnp.sum(embed_weight ** 2, axis=1)
    idx, mv = pl.pallas_call(
        _dist_kernel,
        grid=(NROWS // R,),
        in_specs=[
            pl.BlockSpec((R, DIM), lambda i: (i, 0)),
            pl.BlockSpec((R,), lambda i: (i,)),
            pl.BlockSpec((NE, DIM), lambda i: (0, 0)),
            pl.BlockSpec((NE,), lambda i: (0,)),
        ],
        out_specs=[
            pl.BlockSpec((R,), lambda i: (i,)),
            pl.BlockSpec((R,), lambda i: (i,)),
        ],
        out_shape=[
            jax.ShapeDtypeStruct((NROWS,), jnp.int32),
            jax.ShapeDtypeStruct((NROWS,), jnp.float32),
        ],
    )(zp.astype(jnp.bfloat16), zsq, embed_weight, esq)

    zqw = _make_sc_gather()(idx.reshape(NROWS // 128, 128),
                            embed_weight.reshape(NE // 4, 4 * DIM))

    zqst, hist, loss11, perp11 = pl.pallas_call(
        _fin_kernel,
        grid=(NROWS // RB,),
        in_specs=[
            pl.BlockSpec((RB,), lambda i: (i,)),
            pl.BlockSpec((RB, DIM), lambda i: (i, 0)),
            pl.BlockSpec((RB, 4 * DIM), lambda i: (i, 0)),
        ],
        out_specs=[
            pl.BlockSpec((RB, DIM), lambda i: (i, 0)),
            pl.BlockSpec((NE,), lambda i: (0,)),
            pl.BlockSpec((1, 1), lambda i: (0, 0)),
            pl.BlockSpec((1, 1), lambda i: (0, 0)),
        ],
        out_shape=[
            jax.ShapeDtypeStruct((NROWS, DIM), jnp.float32),
            jax.ShapeDtypeStruct((NE,), jnp.float32),
            jax.ShapeDtypeStruct((1, 1), jnp.float32),
            jax.ShapeDtypeStruct((1, 1), jnp.float32),
        ],
    )(idx, zp, zqw)

    del hist
    z_q_out = zqst.reshape(16, 32, 32, DIM).transpose(0, 3, 1, 2)
    return loss11[0, 0], z_q_out, idx[:, None], perp11[0, 0]

# --- scband reference (transcript-rebuilt; emitter-appended) ---
"""Pipeline reference for scband-vector-quantizer-85220741087886 (READ-ONLY COPY).

The authoritative reference and input builder live on the scoring server;
editing this copy changes nothing except your own understanding.
"""

import jax, jax.numpy as jnp
import numpy as np

DIM = 32
N_EMBED = 8192
COMMITMENT_COST = 0.25


def setup_inputs(seed: int = 0) -> dict:
    key = jax.random.key(seed)
    k1, k2 = jax.random.split(key)
    z = jax.random.normal(k1, (16, 32, 32, 32), dtype=jnp.float32)
    embed_weight = jax.random.uniform(
        k2, (N_EMBED, DIM), dtype=jnp.float32,
        minval=-1.0 / (2 * N_EMBED), maxval=1.0 / (2 * N_EMBED))
    return {"z": z, "embed_weight": embed_weight}


def reference(z, embed_weight):
    # z: [B, C, H, W] -> [B, H, W, C]
    zp = jnp.transpose(z, (0, 2, 3, 1))
    z_flat = zp.reshape(-1, DIM)
    # squared L2 distances to codebook entries
    d = (jnp.sum(z_flat ** 2, axis=1, keepdims=True)
         + jnp.sum(embed_weight ** 2, axis=1)
         - 2.0 * jnp.matmul(z_flat, embed_weight.T))
    min_encoding_indices = jnp.argmin(d, axis=1)[:, None]
    min_encodings = jax.nn.one_hot(min_encoding_indices[:, 0], N_EMBED, dtype=jnp.float32)
    z_q = jnp.matmul(min_encodings, embed_weight).reshape(zp.shape)
    loss = (jnp.mean((jax.lax.stop_gradient(z_q) - zp) ** 2)
            + COMMITMENT_COST * jnp.mean((z_q - jax.lax.stop_gradient(zp)) ** 2))
    z_q_st = zp + jax.lax.stop_gradient(z_q - zp)
    e_mean = jnp.mean(min_encodings, axis=0)
    perplexity = jnp.exp(-jnp.sum(e_mean * jnp.log(e_mean + 1e-10)))
    z_q_out = jnp.transpose(z_q_st, (0, 3, 1, 2))
    return (loss, z_q_out, min_encoding_indices, perplexity)

if __name__ == "__main__":
    import jax
    _d = setup_inputs()
    print(jax.jit(kernel)(*tuple(_d.values())))

</pallas_src>

<mosaic_0001>
#map = affine_map<(d0, d1) -> (0, 0)>
module attributes {stable_mosaic.version = 14 : i64} {
  func.func @_sc_gather(%arg0: i32, %arg1: i32, %arg2: memref<128x128xi32, #tpu.memory_space<hbm>>, %arg3: memref<2048x128xf32, #tpu.memory_space<hbm>>, %arg4: memref<16384x128xf32, #tpu.memory_space<hbm>>, %arg5: memref<4x128xi32, #tpu.memory_space<vmem>>, %arg6: memref<4x128xi32, #tpu.memory_space<vmem>>, %arg7: memref<512x128xf32, #tpu.memory_space<vmem>>, %arg8: memref<!tpu.dma_semaphore, #tpu.memory_space<semaphore_mem>>) attributes {dimension_semantics = [#tpu.dimension_semantics<core_parallel>, #tpu.dimension_semantics<subcore_parallel>], iteration_bounds = array<i64: 2, 16>, scalar_prefetch = 0 : i64, scratch_operands = 4 : i64, tpu.core_type = #tpu.core_type<sc_vector_subcore>, window_params = [{transform_indices = #map}, {transform_indices = #map}, {transform_indices = #map}]} {
    %mul3A = arith.constant 2 : i32
    %mul3A_0 = arith.muli %arg1, %mul3A : i32
    %add3A = arith.addi %mul3A_0, %arg0 : i32
    %mul3A_1 = arith.constant 4 : i32
    %mul3A_2 = arith.muli %add3A, %mul3A_1 : i32
    "tpu.region"() ({
      %run_scoped3A = tpu.sem_alloc : memref<!tpu.dma_semaphore, #tpu.memory_space<semaphore_mem>>
      %dma_start3A_528 = arith.constant 0 : i32
      %dma_start3A_529 = tpu.memref_slice %arg2[%mul3A_2, %dma_start3A_528] : memref<128x128xi32, #tpu.memory_space<hbm>> -> memref<4x128xi32, #tpu.memory_space<hbm>>
      %dma_start3A_530 = arith.constant 0 : i32
      %dma_start3A_531 = tpu.memref_slice %arg2[%mul3A_2, %dma_start3A_530] : memref<128x128xi32, #tpu.memory_space<hbm>> -> memref<4x128xi32, #tpu.memory_space<hbm>>
      tpu.enqueue_dma source(%dma_start3A_531 : memref<4x128xi32, #tpu.memory_space<hbm>>) target(%arg5 : memref<4x128xi32, #tpu.memory_space<vmem>>) target_semaphore(%run_scoped3A : memref<!tpu.dma_semaphore, #tpu.memory_space<semaphore_mem>>)
      %dma_wait3A_532 = arith.constant 0 : i32
      %dma_wait3A_533 = tpu.memref_slice %arg2[%mul3A_2, %dma_wait3A_532] : memref<128x128xi32, #tpu.memory_space<hbm>> -> memref<4x128xi32, #tpu.memory_space<hbm>>
      %dma_wait3A_534 = arith.constant 0 : i32
      %dma_wait3A_535 = tpu.memref_slice %arg2[%mul3A_2, %dma_wait3A_534] : memref<128x128xi32, #tpu.memory_space<hbm>> -> memref<4x128xi32, #tpu.memory_space<hbm>>
      tpu.wait_dma2 semaphore(%run_scoped3A : memref<!tpu.dma_semaphore, #tpu.memory_space<semaphore_mem>>) src(%dma_wait3A_535 : memref<4x128xi32, #tpu.memory_space<hbm>>) dst(%arg5 : memref<4x128xi32, #tpu.memory_space<vmem>>)
      tpu.yield
    }) : () -> ()
    %get3A = arith.constant 0 : i32
    %get3A_3 = arith.index_cast %get3A : i32 to index
    %get3A_4 = arith.constant 0 : index
    %get3A_5 = tpu.vector_load %arg5[%get3A_3, %get3A_4] {strides = array<i32>} : memref<4x128xi32, #tpu.memory_space<vmem>>, vector<1x16xi32>,
    %get3A_6 = vector.shape_cast %get3A_5 : vector<1x16xi32> to vector<16xi32>
    %shift_right_arithmetic3A = arith.constant 2 : i32
    %shift_right_arithmetic3A_7 = vector.broadcast %shift_right_arithmetic3A : i32 to vector<16xi32>
    %shift_right_arithmetic3A_8 = arith.shrsi %get3A_6, %shift_right_arithmetic3A_7 : vector<16xi32>
    %swap3A = arith.constant 0 : i32
    %swap3A_9 = arith.index_cast %swap3A : i32 to index
    %swap3A_10 = arith.constant 0 : index
    %swap3A_11 = tpu.vector_load %arg6[%swap3A_9, %swap3A_10] {strides = array<i32>} : memref<4x128xi32, #tpu.memory_space<vmem>>, vector<1x16xi32>,
    %swap3A_12 = vector.shape_cast %swap3A_11 : vector<1x16xi32> to vector<16xi32>
    %swap3A_13 = vector.shape_cast %shift_right_arithmetic3A_8 : vector<16xi32> to vector<1x16xi32>
    tpu.vector_store %arg6[%swap3A_9, %swap3A_10], %swap3A_13 {strides = array<i32>} : memref<4x128xi32, #tpu.memory_space<vmem>>, vector<1x16xi32>,
    %get3A_14 = arith.constant 0 : i32
    %get3A_15 = arith.index_cast %get3A_14 : i32 to index
    %get3A_16 = arith.constant 16 : index
    %get3A_17 = tpu.vector_load %arg5[%get3A_15, %get3A_16] {strides = array<i32>} : memref<4x128xi32, #tpu.memory_space<vmem>>, vector<1x16xi32>,
    %get3A_18 = vector.shape_cast %get3A_17 : vector<1x16xi32> to vector<16xi32>
    %shift_right_arithmetic3A_19 = arith.constant 2 : i32
    %shift_right_arithmetic3A_20 = vector.broadcast %shift_right_arithmetic3A_19 : i32 to vector<16xi32>
    %shift_right_arithmetic3A_21 = arith.shrsi %get3A_18, %shift_right_arithmetic3A_20 : vector<16xi32>
    %swap3A_22 = arith.constant 0 : i32
    %swap3A_23 = arith.index_cast %swap3A_22 : i32 to index
    %swap3A_24 = arith.constant 16 : index
    %swap3A_25 = tpu.vector_load %arg6[%swap3A_23, %swap3A_24] {strides = array<i32>} : memref<4x128xi32, #tpu.memory_space<vmem>>, vector<1x16xi32>,
    %swap3A_26 = vector.shape_cast %swap3A_25 : vector<1x16xi32> to vector<16xi32>
    %swap3A_27 = vector.shape_cast %shift_right_arithmetic3A_21 : vector<16xi32> to vector<1x16xi32>
    tpu.vector_store %arg6[%swap3A_23, %swap3A_24], %swap3A_27 {strides = array<i32>} : memref<4x128xi32, #tpu.memory_space<vmem>>, vector<1x16xi32>,
    %get3A_28 = arith.constant 0 : i32
    %get3A_29 = arith.index_cast %get3A_28 : i32 to index
    %get3A_30 = arith.constant 32 : index
    %get3A_31 = tpu.vector_load %arg5[%get3A_29, %get3A_30] {strides = array<i32>} : memref<4x128xi32, #tpu.memory_space<vmem>>, vector<1x16xi32>,
    %get3A_32 = vector.shape_cast %get3A_31 : vector<1x16xi32> to vector<16xi32>
    %shift_right_arithmetic3A_33 = arith.constant 2 : i32
    %shift_right_arithmetic3A_34 = vector.broadcast %shift_right_arithmetic3A_33 : i32 to vector<16xi32>
    %shift_right_arithmetic3A_35 = arith.shrsi %get3A_32, %shift_right_arithmetic3A_34 : vector<16xi32>
    %swap3A_36 = arith.constant 0 : i32
    %swap3A_37 = arith.index_cast %swap3A_36 : i32 to index
    %swap3A_38 = arith.constant 32 : index
    %swap3A_39 = tpu.vector_load %arg6[%swap3A_37, %swap3A_38] {strides = array<i32>} : memref<4x128xi32, #tpu.memory_space<vmem>>, vector<1x16xi32>,
    %swap3A_40 = vector.shape_cast %swap3A_39 : vector<1x16xi32> to vector<16xi32>
    %swap3A_41 = vector.shape_cast %shift_right_arithmetic3A_35 : vector<16xi32> to vector<1x16xi32>
    tpu.vector_store %arg6[%swap3A_37, %swap3A_38], %swap3A_41 {strides = array<i32>} : memref<4x128xi32, #tpu.memory_space<vmem>>, vector<1x16xi32>,
    %get3A_42 = arith.constant 0 : i32
    %get3A_43 = arith.index_cast %get3A_42 : i32 to index
    %get3A_44 = arith.constant 48 : index
    %get3A_45 = tpu.vector_load %arg5[%get3A_43, %get3A_44] {strides = array<i32>} : memref<4x128xi32, #tpu.memory_space<vmem>>, vector<1x16xi32>,
    %get3A_46 = vector.shape_cast %get3A_45 : vector<1x16xi32> to vector<16xi32>
    %shift_right_arithmetic3A_47 = arith.constant 2 : i32
    %shift_right_arithmetic3A_48 = vector.broadcast %shift_right_arithmetic3A_47 : i32 to vector<16xi32>
    %shift_right_arithmetic3A_49 = arith.shrsi %get3A_46, %shift_right_arithmetic3A_48 : vector<16xi32>
    %swap3A_50 = arith.constant 0 : i32
    %swap3A_51 = arith.index_cast %swap3A_50 : i32 to index
    %swap3A_52 = arith.constant 48 : index
    %swap3A_53 = tpu.vector_load %arg6[%swap3A_51, %swap3A_52] {strides = array<i32>} : memref<4x128xi32, #tpu.memory_space<vmem>>, vector<1x16xi32>,
    %swap3A_54 = vector.shape_cast %swap3A_53 : vector<1x16xi32> to vector<16xi32>
    %swap3A_55 = vector.shape_cast %shift_right_arithmetic3A_49 : vector<16xi32> to vector<1x16xi32>
    tpu.vector_store %arg6[%swap3A_51, %swap3A_52], %swap3A_55 {strides = array<i32>} : memref<4x128xi32, #tpu.memory_space<vmem>>, vector<1x16xi32>,
    %get3A_56 = arith.constant 0 : i32
    %get3A_57 = arith.index_cast %get3A_56 : i32 to index
    %get3A_58 = arith.constant 64 : index
    %get3A_59 = tpu.vector_load %arg5[%get3A_57, %get3A_58] {strides = array<i32>} : memref<4x128xi32, #tpu.memory_space<vmem>>, vector<1x16xi32>,
    %get3A_60 = vector.shape_cast %get3A_59 : vector<1x16xi32> to vector<16xi32>
    %shift_right_arithmetic3A_61 = arith.constant 2 : i32
    %shift_right_arithmetic3A_62 = vector.broadcast %shift_right_arithmetic3A_61 : i32 to vector<16xi32>
    %shift_right_arithmetic3A_63 = arith.shrsi %get3A_60, %shift_right_arithmetic3A_62 : vector<16xi32>
    %swap3A_64 = arith.constant 0 : i32
    %swap3A_65 = arith.index_cast %swap3A_64 : i32 to index
    %swap3A_66 = arith.constant 64 : index
    %swap3A_67 = tpu.vector_load %arg6[%swap3A_65, %swap3A_66] {strides = array<i32>} : memref<4x128xi32, #tpu.memory_space<vmem>>, vector<1x16xi32>,
    %swap3A_68 = vector.shape_cast %swap3A_67 : vector<1x16xi32> to vector<16xi32>
    %swap3A_69 = vector.shape_cast %shift_right_arithmetic3A_63 : vector<16xi32> to vector<1x16xi32>
    tpu.vector_store %arg6[%swap3A_65, %swap3A_66], %swap3A_69 {strides = array<i32>} : memref<4x128xi32, #tpu.memory_space<vmem>>, vector<1x16xi32>,
    %get3A_70 = arith.constant 0 : i32
    %get3A_71 = arith.index_cast %get3A_70 : i32 to index
    %get3A_72 = arith.constant 80 : index
    %get3A_73 = tpu.vector_load %arg5[%get3A_71, %get3A_72] {strides = array<i32>} : memref<4x128xi32, #tpu.memory_space<vmem>>, vector<1x16xi32>,
    %get3A_74 = vector.shape_cast %get3A_73 : vector<1x16xi32> to vector<16xi32>
    %shift_right_arithmetic3A_75 = arith.constant 2 : i32
    %shift_right_arithmetic3A_76 = vector.broadcast %shift_right_arithmetic3A_75 : i32 to vector<16xi32>
    %shift_right_arithmetic3A_77 = arith.shrsi %get3A_74, %shift_right_arithmetic3A_76 : vector<16xi32>
    %swap3A_78 = arith.constant 0 : i32
    %swap3A_79 = arith.index_cast %swap3A_78 : i32 to index
    %swap3A_80 = arith.constant 80 : index
    %swap3A_81 = tpu.vector_load %arg6[%swap3A_79, %swap3A_80] {strides = array<i32>} : memref<4x128xi32, #tpu.memory_space<vmem>>, vector<1x16xi32>,
    %swap3A_82 = vector.shape_cast %swap3A_81 : vector<1x16xi32> to vector<16xi32>
    %swap3A_83 = vector.shape_cast %shift_right_arithmetic3A_77 : vector<16xi32> to vector<1x16xi32>
    tpu.vector_store %arg6[%swap3A_79, %swap3A_80], %swap3A_83 {strides = array<i32>} : memref<4x128xi32, #tpu.memory_space<vmem>>, vector<1x16xi32>,
    %get3A_84 = arith.constant 0 : i32
    %get3A_85 = arith.index_cast %get3A_84 : i32 to index
    %get3A_86 = arith.constant 96 : index
    %get3A_87 = tpu.vector_load %arg5[%get3A_85, %get3A_86] {strides = array<i32>} : memref<4x128xi32, #tpu.memory_space<vmem>>, vector<1x16xi32>,
    %get3A_88 = vector.shape_cast %get3A_87 : vector<1x16xi32> to vector<16xi32>
    %shift_right_arithmetic3A_89 = arith.constant 2 : i32
    %shift_right_arithmetic3A_90 = vector.broadcast %shift_right_arithmetic3A_89 : i32 to vector<16xi32>
    %shift_right_arithmetic3A_91 = arith.shrsi %get3A_88, %shift_right_arithmetic3A_90 : vector<16xi32>
    %swap3A_92 = arith.constant 0 : i32
    %swap3A_93 = arith.index_cast %swap3A_92 : i32 to index
    %swap3A_94 = arith.constant 96 : index
    %swap3A_95 = tpu.vector_load %arg6[%swap3A_93, %swap3A_94] {strides = array<i32>} : memref<4x128xi32, #tpu.memory_space<vmem>>, vector<1x16xi32>,
    %swap3A_96 = vector.shape_cast %swap3A_95 : vector<1x16xi32> to vector<16xi32>
    %swap3A_97 = vector.shape_cast %shift_right_arithmetic3A_91 : vector<16xi32> to vector<1x16xi32>
    tpu.vector_store %arg6[%swap3A_93, %swap3A_94], %swap3A_97 {strides = array<i32>} : memref<4x128xi32, #tpu.memory_space<vmem>>, vector<1x16xi32>,
    %get3A_98 = arith.constant 0 : i32
    %get3A_99 = arith.index_cast %get3A_98 : i32 to index
    %get3A_100 = arith.constant 112 : index
    %get3A_101 = tpu.vector_load %arg5[%get3A_99, %get3A_100] {strides = array<i32>} : memref<4x128xi32, #tpu.memory_space<vmem>>, vector<1x16xi32>,
    %get3A_102 = vector.shape_cast %get3A_101 : vector<1x16xi32> to vector<16xi32>
    %shift_right_arithmetic3A_103 = arith.constant 2 : i32
    %shift_right_arithmetic3A_104 = vector.broadcast %shift_right_arithmetic3A_103 : i32 to vector<16xi32>
    %shift_right_arithmetic3A_105 = arith.shrsi %get3A_102, %shift_right_arithmetic3A_104 : vector<16xi32>
    %swap3A_106 = arith.constant 0 : i32
    %swap3A_107 = arith.index_cast %swap3A_106 : i32 to index
    %swap3A_108 = arith.constant 112 : index
    %swap3A_109 = tpu.vector_load %arg6[%swap3A_107, %swap3A_108] {strides = array<i32>} : memref<4x128xi32, #tpu.memory_space<vmem>>, vector<1x16xi32>,
    %swap3A_110 = vector.shape_cast %swap3A_109 : vector<1x16xi32> to vector<16xi32>
    %swap3A_111 = vector.shape_cast %shift_right_arithmetic3A_105 : vector<16xi32> to vector<1x16xi32>
    tpu.vector_store %arg6[%swap3A_107, %swap3A_108], %swap3A_111 {strides = array<i32>} : memref<4x128xi32, #tpu.memory_space<vmem>>, vector<1x16xi32>,
    %get3A_112 = arith.constant 1 : i32
    %get3A_113 = arith.index_cast %get3A_112 : i32 to index
    %get3A_114 = arith.constant 0 : index
    %get3A_115 = tpu.vector_load %arg5[%get3A_113, %get3A_114] {strides = array<i32>} : memref<4x128xi32, #tpu.memory_space<vmem>>, vector<1x16xi32>,
    %get3A_116 = vector.shape_cast %get3A_115 : vector<1x16xi32> to vector<16xi32>
    %shift_right_arithmetic3A_117 = arith.constant 2 : i32
    %shift_right_arithmetic3A_118 = vector.broadcast %shift_right_arithmetic3A_117 : i32 to vector<16xi32>
    %shift_right_arithmetic3A_119 = arith.shrsi %get3A_116, %shift_right_arithmetic3A_118 : vector<16xi32>
    %swap3A_120 = arith.constant 1 : i32
    %swap3A_121 = arith.index_cast %swap3A_120 : i32 to index
    %swap3A_122 = arith.constant 0 : index
    %swap3A_123 = tpu.vector_load %arg6[%swap3A_121, %swap3A_122] {strides = array<i32>} : memref<4x128xi32, #tpu.memory_space<vmem>>, vector<1x16xi32>,
    %swap3A_124 = vector.shape_cast %swap3A_123 : vector<1x16xi32> to vector<16xi32>
    %swap3A_125 = vector.shape_cast %shift_right_arithmetic3A_119 : vector<16xi32> to vector<1x16xi32>
    tpu.vector_store %arg6[%swap3A_121, %swap3A_122], %swap3A_125 {strides = array<i32>} : memref<4x128xi32, #tpu.memory_space<vmem>>, vector<1x16xi32>,
    %get3A_126 = arith.constant 1 : i32
    %get3A_127 = arith.index_cast %get3A_126 : i32 to index
    %get3A_128 = arith.constant 16 : index
    %get3A_129 = tpu.vector_load %arg5[%get3A_127, %get3A_128] {strides = array<i32>} : memref<4x128xi32, #tpu.memory_space<vmem>>, vector<1x16xi32>,
    %get3A_130 = vector.shape_cast %get3A_129 : vector<1x16xi32> to vector<16xi32>
    %shift_right_arithmetic3A_131 = arith.constant 2 : i32
    %shift_right_arithmetic3A_132 = vector.broadcast %shift_right_arithmetic3A_131 : i32 to vector<16xi32>
    %shift_right_arithmetic3A_133 = arith.shrsi %get3A_130, %shift_right_arithmetic3A_132 : vector<16xi32>
    %swap3A_134 = arith.constant 1 : i32
    %swap3A_135 = arith.index_cast %swap3A_134 : i32 to index
    %swap3A_136 = arith.constant 16 : index
    %swap3A_137 = tpu.vector_load %arg6[%swap3A_135, %swap3A_136] {strides = array<i32>} : memref<4x128xi32, #tpu.memory_space<vmem>>, vector<1x16xi32>,
    %swap3A_138 = vector.shape_cast %swap3A_137 : vector<1x16xi32> to vector<16xi32>
    %swap3A_139 = vector.shape_cast %shift_right_arithmetic3A_133 : vector<16xi32> to vector<1x16xi32>
    tpu.vector_store %arg6[%swap3A_135, %swap3A_136], %swap3A_139 {strides = array<i32>} : memref<4x128xi32, #tpu.memory_space<vmem>>, vector<1x16xi32>,
    %get3A_140 = arith.constant 1 : i32
    %get3A_141 = arith.index_cast %get3A_140 : i32 to index
    %get3A_142 = arith.constant 32 : index
    %get3A_143 = tpu.vector_load %arg5[%get3A_141, %get3A_142] {strides = array<i32>} : memref<4x128xi32, #tpu.memory_space<vmem>>, vector<1x16xi32>,
    %get3A_144 = vector.shape_cast %get3A_143 : vector<1x16xi32> to vector<16xi32>
    %shift_right_arithmetic3A_145 = arith.constant 2 : i32
    %shift_right_arithmetic3A_146 = vector.broadcast %shift_right_arithmetic3A_145 : i32 to vector<16xi32>
    %shift_right_arithmetic3A_147 = arith.shrsi %get3A_144, %shift_right_arithmetic3A_146 : vector<16xi32>
    %swap3A_148 = arith.constant 1 : i32
    %swap3A_149 = arith.index_cast %swap3A_148 : i32 to index
    %swap3A_150 = arith.constant 32 : index
    %swap3A_151 = tpu.vector_load %arg6[%swap3A_149, %swap3A_150] {strides = array<i32>} : memref<4x128xi32, #tpu.memory_space<vmem>>, vector<1x16xi32>,
    %swap3A_152 = vector.shape_cast %swap3A_151 : vector<1x16xi32> to vector<16xi32>
    %swap3A_153 = vector.shape_cast %shift_right_arithmetic3A_147 : vector<16xi32> to vector<1x16xi32>
    tpu.vector_store %arg6[%swap3A_149, %swap3A_150], %swap3A_153 {strides = array<i32>} : memref<4x128xi32, #tpu.memory_space<vmem>>, vector<1x16xi32>,
    %get3A_154 = arith.constant 1 : i32
    %get3A_155 = arith.index_cast %get3A_154 : i32 to index
    %get3A_156 = arith.constant 48 : index
    %get3A_157 = tpu.vector_load %arg5[%get3A_155, %get3A_156] {strides = array<i32>} : memref<4x128xi32, #tpu.memory_space<vmem>>, vector<1x16xi32>,
    %get3A_158 = vector.shape_cast %get3A_157 : vector<1x16xi32> to vector<16xi32>
    %shift_right_arithmetic3A_159 = arith.constant 2 : i32
    %shift_right_arithmetic3A_160 = vector.broadcast %shift_right_arithmetic3A_159 : i32 to vector<16xi32>
    %shift_right_arithmetic3A_161 = arith.shrsi %get3A_158, %shift_right_arithmetic3A_160 : vector<16xi32>
    %swap3A_162 = arith.constant 1 : i32
    %swap3A_163 = arith.index_cast %swap3A_162 : i32 to index
    %swap3A_164 = arith.constant 48 : index
    %swap3A_165 = tpu.vector_load %arg6[%swap3A_163, %swap3A_164] {strides = array<i32>} : memref<4x128xi32, #tpu.memory_space<vmem>>, vector<1x16xi32>,
    %swap3A_166 = vector.shape_cast %swap3A_165 : vector<1x16xi32> to vector<16xi32>
    %swap3A_167 = vector.shape_cast %shift_right_arithmetic3A_161 : vector<16xi32> to vector<1x16xi32>
    tpu.vector_store %arg6[%swap3A_163, %swap3A_164], %swap3A_167 {strides = array<i32>} : memref<4x128xi32, #tpu.memory_space<vmem>>, vector<1x16xi32>,
    %get3A_168 = arith.constant 1 : i32
    %get3A_169 = arith.index_cast %get3A_168 : i32 to index
    %get3A_170 = arith.constant 64 : index
    %get3A_171 = tpu.vector_load %arg5[%get3A_169, %get3A_170] {strides = array<i32>} : memref<4x128xi32, #tpu.memory_space<vmem>>, vector<1x16xi32>,
    %get3A_172 = vector.shape_cast %get3A_171 : vector<1x16xi32> to vector<16xi32>
    %shift_right_arithmetic3A_173 = arith.constant 2 : i32
    %shift_right_arithmetic3A_174 = vector.broadcast %shift_right_arithmetic3A_173 : i32 to vector<16xi32>
    %shift_right_arithmetic3A_175 = arith.shrsi %get3A_172, %shift_right_arithmetic3A_174 : vector<16xi32>
    %swap3A_176 = arith.constant 1 : i32
    %swap3A_177 = arith.index_cast %swap3A_176 : i32 to index
    %swap3A_178 = arith.constant 64 : index
    %swap3A_179 = tpu.vector_load %arg6[%swap3A_177, %swap3A_178] {strides = array<i32>} : memref<4x128xi32, #tpu.memory_space<vmem>>, vector<1x16xi32>,
    %swap3A_180 = vector.shape_cast %swap3A_179 : vector<1x16xi32> to vector<16xi32>
    %swap3A_181 = vector.shape_cast %shift_right_arithmetic3A_175 : vector<16xi32> to vector<1x16xi32>
    tpu.vector_store %arg6[%swap3A_177, %swap3A_178], %swap3A_181 {strides = array<i32>} : memref<4x128xi32, #tpu.memory_space<vmem>>, vector<1x16xi32>,
    %get3A_182 = arith.constant 1 : i32
    %get3A_183 = arith.index_cast %get3A_182 : i32 to index
    %get3A_184 = arith.constant 80 : index
    %get3A_185 = tpu.vector_load %arg5[%get3A_183, %get3A_184] {strides = array<i32>} : memref<4x128xi32, #tpu.memory_space<vmem>>, vector<1x16xi32>,
    %get3A_186 = vector.shape_cast %get3A_185 : vector<1x16xi32> to vector<16xi32>
    %shift_right_arithmetic3A_187 = arith.constant 2 : i32
    %shift_right_arithmetic3A_188 = vector.broadcast %shift_right_arithmetic3A_187 : i32 to vector<16xi32>
    %shift_right_arithmetic3A_189 = arith.shrsi %get3A_186, %shift_right_arithmetic3A_188 : vector<16xi32>
    %swap3A_190 = arith.constant 1 : i32
    %swap3A_191 = arith.index_cast %swap3A_190 : i32 to index
    %swap3A_192 = arith.constant 80 : index
    %swap3A_193 = tpu.vector_load %arg6[%swap3A_191, %swap3A_192] {strides = array<i32>} : memref<4x128xi32, #tpu.memory_space<vmem>>, vector<1x16xi32>,
    %swap3A_194 = vector.shape_cast %swap3A_193 : vector<1x16xi32> to vector<16xi32>
    %swap3A_195 = vector.shape_cast %shift_right_arithmetic3A_189 : vector<16xi32> to vector<1x16xi32>
    tpu.vector_store %arg6[%swap3A_191, %swap3A_192], %swap3A_195 {strides = array<i32>} : memref<4x128xi32, #tpu.memory_space<vmem>>, vector<1x16xi32>,
    %get3A_196 = arith.constant 1 : i32
    %get3A_197 = arith.index_cast %get3A_196 : i32 to index
    %get3A_198 = arith.constant 96 : index
    %get3A_199 = tpu.vector_load %arg5[%get3A_197, %get3A_198] {strides = array<i32>} : memref<4x128xi32, #tpu.memory_space<vmem>>, vector<1x16xi32>,
    %get3A_200 = vector.shape_cast %get3A_199 : vector<1x16xi32> to vector<16xi32>
    %shift_right_arithmetic3A_201 = arith.constant 2 : i32
    %shift_right_arithmetic3A_202 = vector.broadcast %shift_right_arithmetic3A_201 : i32 to vector<16xi32>
    %shift_right_arithmetic3A_203 = arith.shrsi %get3A_200, %shift_right_arithmetic3A_202 : vector<16xi32>
    %swap3A_204 = arith.constant 1 : i32
    %swap3A_205 = arith.index_cast %swap3A_204 : i32 to index
    %swap3A_206 = arith.constant 96 : index
    %swap3A_207 = tpu.vector_load %arg6[%swap3A_205, %swap3A_206] {strides = array<i32>} : memref<4x128xi32, #tpu.memory_space<vmem>>, vector<1x16xi32>,
    %swap3A_208 = vector.shape_cast %swap3A_207 : vector<1x16xi32> to vector<16xi32>
    %swap3A_209 = vector.shape_cast %shift_right_arithmetic3A_203 : vector<16xi32> to vector<1x16xi32>
    tpu.vector_store %arg6[%swap3A_205, %swap3A_206], %swap3A_209 {strides = array<i32>} : memref<4x128xi32, #tpu.memory_space<vmem>>, vector<1x16xi32>,
    %get3A_210 = arith.constant 1 : i32
    %get3A_211 = arith.index_cast %get3A_210 : i32 to index
    %get3A_212 = arith.constant 112 : index
    %get3A_213 = tpu.vector_load %arg5[%get3A_211, %get3A_212] {strides = array<i32>} : memref<4x128xi32, #tpu.memory_space<vmem>>, vector<1x16xi32>,
    %get3A_214 = vector.shape_cast %get3A_213 : vector<1x16xi32> to vector<16xi32>
    %shift_right_arithmetic3A_215 = arith.constant 2 : i32
    %shift_right_arithmetic3A_216 = vector.broadcast %shift_right_arithmetic3A_215 : i32 to vector<16xi32>
    %shift_right_arithmetic3A_217 = arith.shrsi %get3A_214, %shift_right_arithmetic3A_216 : vector<16xi32>
    %swap3A_218 = arith.constant 1 : i32
    %swap3A_219 = arith.index_cast %swap3A_218 : i32 to index
    %swap3A_220 = arith.constant 112 : index
    %swap3A_221 = tpu.vector_load %arg6[%swap3A_219, %swap3A_220] {strides = array<i32>} : memref<4x128xi32, #tpu.memory_space<vmem>>, vector<1x16xi32>,
    %swap3A_222 = vector.shape_cast %swap3A_221 : vector<1x16xi32> to vector<16xi32>
    %swap3A_223 = vector.shape_cast %shift_right_arithmetic3A_217 : vector<16xi32> to vector<1x16xi32>
    tpu.vector_store %arg6[%swap3A_219, %swap3A_220], %swap3A_223 {strides = array<i32>} : memref<4x128xi32, #tpu.memory_space<vmem>>, vector<1x16xi32>,
    %get3A_224 = arith.constant 2 : i32
    %get3A_225 = arith.index_cast %get3A_224 : i32 to index
    %get3A_226 = arith.constant 0 : index
    %get3A_227 = tpu.vector_load %arg5[%get3A_225, %get3A_226] {strides = array<i32>} : memref<4x128xi32, #tpu.memory_space<vmem>>, vector<1x16xi32>,
    %get3A_228 = vector.shape_cast %get3A_227 : vector<1x16xi32> to vector<16xi32>
    %shift_right_arithmetic3A_229 = arith.constant 2 : i32
    %shift_right_arithmetic3A_230 = vector.broadcast %shift_right_arithmetic3A_229 : i32 to vector<16xi32>
    %shift_right_arithmetic3A_231 = arith.shrsi %get3A_228, %shift_right_arithmetic3A_230 : vector<16xi32>
    %swap3A_232 = arith.constant 2 : i32
    %swap3A_233 = arith.index_cast %swap3A_232 : i32 to index
    %swap3A_234 = arith.constant 0 : index
    %swap3A_235 = tpu.vector_load %arg6[%swap3A_233, %swap3A_234] {strides = array<i32>} : memref<4x128xi32, #tpu.memory_space<vmem>>, vector<1x16xi32>,
    %swap3A_236 = vector.shape_cast %swap3A_235 : vector<1x16xi32> to vector<16xi32>
    %swap3A_237 = vector.shape_cast %shift_right_arithmetic3A_231 : vector<16xi32> to vector<1x16xi32>
    tpu.vector_store %arg6[%swap3A_233, %swap3A_234], %swap3A_237 {strides = array<i32>} : memref<4x128xi32, #tpu.memory_space<vmem>>, vector<1x16xi32>,
    %get3A_238 = arith.constant 2 : i32
    %get3A_239 = arith.index_cast %get3A_238 : i32 to index
    %get3A_240 = arith.constant 16 : index
    %get3A_241 = tpu.vector_load %arg5[%get3A_239, %get3A_240] {strides = array<i32>} : memref<4x128xi32, #tpu.memory_space<vmem>>, vector<1x16xi32>,
    %get3A_242 = vector.shape_cast %get3A_241 : vector<1x16xi32> to vector<16xi32>
    %shift_right_arithmetic3A_243 = arith.constant 2 : i32
    %shift_right_arithmetic3A_244 = vector.broadcast %shift_right_arithmetic3A_243 : i32 to vector<16xi32>
    %shift_right_arithmetic3A_245 = arith.shrsi %get3A_242, %shift_right_arithmetic3A_244 : vector<16xi32>
    %swap3A_246 = arith.constant 2 : i32
    %swap3A_247 = arith.index_cast %swap3A_246 : i32 to index
    %swap3A_248 = arith.constant 16 : index
    %swap3A_249 = tpu.vector_load %arg6[%swap3A_247, %swap3A_248] {strides = array<i32>} : memref<4x128xi32, #tpu.memory_space<vmem>>, vector<1x16xi32>,
    %swap3A_250 = vector.shape_cast %swap3A_249 : vector<1x16xi32> to vector<16xi32>
    %swap3A_251 = vector.shape_cast %shift_right_arithmetic3A_245 : vector<16xi32> to vector<1x16xi32>
    tpu.vector_store %arg6[%swap3A_247, %swap3A_248], %swap3A_251 {strides = array<i32>} : memref<4x128xi32, #tpu.memory_space<vmem>>, vector<1x16xi32>,
    %get3A_252 = arith.constant 2 : i32
    %get3A_253 = arith.index_cast %get3A_252 : i32 to index
    %get3A_254 = arith.constant 32 : index
    %get3A_255 = tpu.vector_load %arg5[%get3A_253, %get3A_254] {strides = array<i32>} : memref<4x128xi32, #tpu.memory_space<vmem>>, vector<1x16xi32>,
    %get3A_256 = vector.shape_cast %get3A_255 : vector<1x16xi32> to vector<16xi32>
    %shift_right_arithmetic3A_257 = arith.constant 2 : i32
    %shift_right_arithmetic3A_258 = vector.broadcast %shift_right_arithmetic3A_257 : i32 to vector<16xi32>
    %shift_right_arithmetic3A_259 = arith.shrsi %get3A_256, %shift_right_arithmetic3A_258 : vector<16xi32>
    %swap3A_260 = arith.constant 2 : i32
    %swap3A_261 = arith.index_cast %swap3A_260 : i32 to index
    %swap3A_262 = arith.constant 32 : index
    %swap3A_263 = tpu.vector_load %arg6[%swap3A_261, %swap3A_262] {strides = array<i32>} : memref<4x128xi32, #tpu.memory_space<vmem>>, vector<1x16xi32>,
    %swap3A_264 = vector.shape_cast %swap3A_263 : vector<1x16xi32> to vector<16xi32>
    %swap3A_265 = vector.shape_cast %shift_right_arithmetic3A_259 : vector<16xi32> to vector<1x16xi32>
    tpu.vector_store %arg6[%swap3A_261, %swap3A_262], %swap3A_265 {strides = array<i32>} : memref<4x128xi32, #tpu.memory_space<vmem>>, vector<1x16xi32>,
    %get3A_266 = arith.constant 2 : i32
    %get3A_267 = arith.index_cast %get3A_266 : i32 to index
    %get3A_268 = arith.constant 48 : index
    %get3A_269 = tpu.vector_load %arg5[%get3A_267, %get3A_268] {strides = array<i32>} : memref<4x128xi32, #tpu.memory_space<vmem>>, vector<1x16xi32>,
    %get3A_270 = vector.shape_cast %get3A_269 : vector<1x16xi32> to vector<16xi32>
    %shift_right_arithmetic3A_271 = arith.constant 2 : i32
    %shift_right_arithmetic3A_272 = vector.broadcast %shift_right_arithmetic3A_271 : i32 to vector<16xi32>
    %shift_right_arithmetic3A_273 = arith.shrsi %get3A_270, %shift_right_arithmetic3A_272 : vector<16xi32>
    %swap3A_274 = arith.constant 2 : i32
    %swap3A_275 = arith.index_cast %swap3A_274 : i32 to index
    %swap3A_276 = arith.constant 48 : index
    %swap3A_277 = tpu.vector_load %arg6[%swap3A_275, %swap3A_276] {strides = array<i32>} : memref<4x128xi32, #tpu.memory_space<vmem>>, vector<1x16xi32>,
    %swap3A_278 = vector.shape_cast %swap3A_277 : vector<1x16xi32> to vector<16xi32>
    %swap3A_279 = vector.shape_cast %shift_right_arithmetic3A_273 : vector<16xi32> to vector<1x16xi32>
    tpu.vector_store %arg6[%swap3A_275, %swap3A_276], %swap3A_279 {strides = array<i32>} : memref<4x128xi32, #tpu.memory_space<vmem>>, vector<1x16xi32>,
    %get3A_280 = arith.constant 2 : i32
    %get3A_281 = arith.index_cast %get3A_280 : i32 to index
    %get3A_282 = arith.constant 64 : index
    %get3A_283 = tpu.vector_load %arg5[%get3A_281, %get3A_282] {strides = array<i32>} : memref<4x128xi32, #tpu.memory_space<vmem>>, vector<1x16xi32>,
    %get3A_284 = vector.shape_cast %get3A_283 : vector<1x16xi32> to vector<16xi32>
    %shift_right_arithmetic3A_285 = arith.constant 2 : i32
    %shift_right_arithmetic3A_286 = vector.broadcast %shift_right_arithmetic3A_285 : i32 to vector<16xi32>
    %shift_right_arithmetic3A_287 = arith.shrsi %get3A_284, %shift_right_arithmetic3A_286 : vector<16xi32>
    %swap3A_288 = arith.constant 2 : i32
    %swap3A_289 = arith.index_cast %swap3A_288 : i32 to index
    %swap3A_290 = arith.constant 64 : index
    %swap3A_291 = tpu.vector_load %arg6[%swap3A_289, %swap3A_290] {strides = array<i32>} : memref<4x128xi32, #tpu.memory_space<vmem>>, vector<1x16xi32>,
    %swap3A_292 = vector.shape_cast %swap3A_291 : vector<1x16xi32> to vector<16xi32>
    %swap3A_293 = vector.shape_cast %shift_right_arithmetic3A_287 : vector<16xi32> to vector<1x16xi32>
    tpu.vector_store %arg6[%swap3A_289, %swap3A_290], %swap3A_293 {strides = array<i32>} : memref<4x128xi32, #tpu.memory_space<vmem>>, vector<1x16xi32>,
    %get3A_294 = arith.constant 2 : i32
    %get3A_295 = arith.index_cast %get3A_294 : i32 to index
    %get3A_296 = arith.constant 80 : index
    %get3A_297 = tpu.vector_load %arg5[%get3A_295, %get3A_296] {strides = array<i32>} : memref<4x128xi32, #tpu.memory_space<vmem>>, vector<1x16xi32>,
    %get3A_298 = vector.shape_cast %get3A_297 : vector<1x16xi32> to vector<16xi32>
    %shift_right_arithmetic3A_299 = arith.constant 2 : i32
    %shift_right_arithmetic3A_300 = vector.broadcast %shift_right_arithmetic3A_299 : i32 to vector<16xi32>
    %shift_right_arithmetic3A_301 = arith.shrsi %get3A_298, %shift_right_arithmetic3A_300 : vector<16xi32>
    %swap3A_302 = arith.constant 2 : i32
    %swap3A_303 = arith.index_cast %swap3A_302 : i32 to index
    %swap3A_304 = arith.constant 80 : index
    %swap3A_305 = tpu.vector_load %arg6[%swap3A_303, %swap3A_304] {strides = array<i32>} : memref<4x128xi32, #tpu.memory_space<vmem>>, vector<1x16xi32>,
    %swap3A_306 = vector.shape_cast %swap3A_305 : vector<1x16xi32> to vector<16xi32>
    %swap3A_307 = vector.shape_cast %shift_right_arithmetic3A_301 : vector<16xi32> to vector<1x16xi32>
    tpu.vector_store %arg6[%swap3A_303, %swap3A_304], %swap3A_307 {strides = array<i32>} : memref<4x128xi32, #tpu.memory_space<vmem>>, vector<1x16xi32>,
    %get3A_308 = arith.constant 2 : i32
    %get3A_309 = arith.index_cast %get3A_308 : i32 to index
    %get3A_310 = arith.constant 96 : index
    %get3A_311 = tpu.vector_load %arg5[%get3A_309, %get3A_310] {strides = array<i32>} : memref<4x128xi32, #tpu.memory_space<vmem>>, vector<1x16xi32>,
    %get3A_312 = vector.shape_cast %get3A_311 : vector<1x16xi32> to vector<16xi32>
    %shift_right_arithmetic3A_313 = arith.constant 2 : i32
    %shift_right_arithmetic3A_314 = vector.broadcast %shift_right_arithmetic3A_313 : i32 to vector<16xi32>
    %shift_right_arithmetic3A_315 = arith.shrsi %get3A_312, %shift_right_arithmetic3A_314 : vector<16xi32>
    %swap3A_316 = arith.constant 2 : i32
    %swap3A_317 = arith.index_cast %swap3A_316 : i32 to index
    %swap3A_318 = arith.constant 96 : index
    %swap3A_319 = tpu.vector_load %arg6[%swap3A_317, %swap3A_318] {strides = array<i32>} : memref<4x128xi32, #tpu.memory_space<vmem>>, vector<1x16xi32>,
    %swap3A_320 = vector.shape_cast %swap3A_319 : vector<1x16xi32> to vector<16xi32>
    %swap3A_321 = vector.shape_cast %shift_right_arithmetic3A_315 : vector<16xi32> to vector<1x16xi32>
    tpu.vector_store %arg6[%swap3A_317, %swap3A_318], %swap3A_321 {strides = array<i32>} : memref<4x128xi32, #tpu.memory_space<vmem>>, vector<1x16xi32>,
    %get3A_322 = arith.constant 2 : i32
    %get3A_323 = arith.index_cast %get3A_322 : i32 to index
    %get3A_324 = arith.constant 112 : index
    %get3A_325 = tpu.vector_load %arg5[%get3A_323, %get3A_324] {strides = array<i32>} : memref<4x128xi32, #tpu.memory_space<vmem>>, vector<1x16xi32>,
    %get3A_326 = vector.shape_cast %get3A_325 : vector<1x16xi32> to vector<16xi32>
    %shift_right_arithmetic3A_327 = arith.constant 2 : i32
    %shift_right_arithmetic3A_328 = vector.broadcast %shift_right_arithmetic3A_327 : i32 to vector<16xi32>
    %shift_right_arithmetic3A_329 = arith.shrsi %get3A_326, %shift_right_arithmetic3A_328 : vector<16xi32>
    %swap3A_330 = arith.constant 2 : i32
    %swap3A_331 = arith.index_cast %swap3A_330 : i32 to index
    %swap3A_332 = arith.constant 112 : index
    %swap3A_333 = tpu.vector_load %arg6[%swap3A_331, %swap3A_332] {strides = array<i32>} : memref<4x128xi32, #tpu.memory_space<vmem>>, vector<1x16xi32>,
    %swap3A_334 = vector.shape_cast %swap3A_333 : vector<1x16xi32> to vector<16xi32>
    %swap3A_335 = vector.shape_cast %shift_right_arithmetic3A_329 : vector<16xi32> to vector<1x16xi32>
    tpu.vector_store %arg6[%swap3A_331, %swap3A_332], %swap3A_335 {strides = array<i32>} : memref<4x128xi32, #tpu.memory_space<vmem>>, vector<1x16xi32>,
    %get3A_336 = arith.constant 3 : i32
    %get3A_337 = arith.index_cast %get3A_336 : i32 to index
    %get3A_338 = arith.constant 0 : index
    %get3A_339 = tpu.vector_load %arg5[%get3A_337, %get3A_338] {strides = array<i32>} : memref<4x128xi32, #tpu.memory_space<vmem>>, vector<1x16xi32>,
    %get3A_340 = vector.shape_cast %get3A_339 : vector<1x16xi32> to vector<16xi32>
    %shift_right_arithmetic3A_341 = arith.constant 2 : i32
    %shift_right_arithmetic3A_342 = vector.broadcast %shift_right_arithmetic3A_341 : i32 to vector<16xi32>
    %shift_right_arithmetic3A_343 = arith.shrsi %get3A_340, %shift_right_arithmetic3A_342 : vector<16xi32>
    %swap3A_344 = arith.constant 3 : i32
    %swap3A_345 = arith.index_cast %swap3A_344 : i32 to index
    %swap3A_346 = arith.constant 0 : index
    %swap3A_347 = tpu.vector_load %arg6[%swap3A_345, %swap3A_346] {strides = array<i32>} : memref<4x128xi32, #tpu.memory_space<vmem>>, vector<1x16xi32>,
    %swap3A_348 = vector.shape_cast %swap3A_347 : vector<1x16xi32> to vector<16xi32>
    %swap3A_349 = vector.shape_cast %shift_right_arithmetic3A_343 : vector<16xi32> to vector<1x16xi32>
    tpu.vector_store %arg6[%swap3A_345, %swap3A_346], %swap3A_349 {strides = array<i32>} : memref<4x128xi32, #tpu.memory_space<vmem>>, vector<1x16xi32>,
    %get3A_350 = arith.constant 3 : i32
    %get3A_351 = arith.index_cast %get3A_350 : i32 to index
    %get3A_352 = arith.constant 16 : index
    %get3A_353 = tpu.vector_load %arg5[%get3A_351, %get3A_352] {strides = array<i32>} : memref<4x128xi32, #tpu.memory_space<vmem>>, vector<1x16xi32>,
    %get3A_354 = vector.shape_cast %get3A_353 : vector<1x16xi32> to vector<16xi32>
    %shift_right_arithmetic3A_355 = arith.constant 2 : i32
    %shift_right_arithmetic3A_356 = vector.broadcast %shift_right_arithmetic3A_355 : i32 to vector<16xi32>
    %shift_right_arithmetic3A_357 = arith.shrsi %get3A_354, %shift_right_arithmetic3A_356 : vector<16xi32>
    %swap3A_358 = arith.constant 3 : i32
    %swap3A_359 = arith.index_cast %swap3A_358 : i32 to index
    %swap3A_360 = arith.constant 16 : index
    %swap3A_361 = tpu.vector_load %arg6[%swap3A_359, %swap3A_360] {strides = array<i32>} : memref<4x128xi32, #tpu.memory_space<vmem>>, vector<1x16xi32>,
    %swap3A_362 = vector.shape_cast %swap3A_361 : vector<1x16xi32> to vector<16xi32>
    %swap3A_363 = vector.shape_cast %shift_right_arithmetic3A_357 : vector<16xi32> to vector<1x16xi32>
    tpu.vector_store %arg6[%swap3A_359, %swap3A_360], %swap3A_363 {strides = array<i32>} : memref<4x128xi32, #tpu.memory_space<vmem>>, vector<1x16xi32>,
    %get3A_364 = arith.constant 3 : i32
    %get3A_365 = arith.index_cast %get3A_364 : i32 to index
    %get3A_366 = arith.constant 32 : index
    %get3A_367 = tpu.vector_load %arg5[%get3A_365, %get3A_366] {strides = array<i32>} : memref<4x128xi32, #tpu.memory_space<vmem>>, vector<1x16xi32>,
    %get3A_368 = vector.shape_cast %get3A_367 : vector<1x16xi32> to vector<16xi32>
    %shift_right_arithmetic3A_369 = arith.constant 2 : i32
    %shift_right_arithmetic3A_370 = vector.broadcast %shift_right_arithmetic3A_369 : i32 to vector<16xi32>
    %shift_right_arithmetic3A_371 = arith.shrsi %get3A_368, %shift_right_arithmetic3A_370 : vector<16xi32>
    %swap3A_372 = arith.constant 3 : i32
    %swap3A_373 = arith.index_cast %swap3A_372 : i32 to index
    %swap3A_374 = arith.constant 32 : index
    %swap3A_375 = tpu.vector_load %arg6[%swap3A_373, %swap3A_374] {strides = array<i32>} : memref<4x128xi32, #tpu.memory_space<vmem>>, vector<1x16xi32>,
    %swap3A_376 = vector.shape_cast %swap3A_375 : vector<1x16xi32> to vector<16xi32>
    %swap3A_377 = vector.shape_cast %shift_right_arithmetic3A_371 : vector<16xi32> to vector<1x16xi32>
    tpu.vector_store %arg6[%swap3A_373, %swap3A_374], %swap3A_377 {strides = array<i32>} : memref<4x128xi32, #tpu.memory_space<vmem>>, vector<1x16xi32>,
    %get3A_378 = arith.constant 3 : i32
    %get3A_379 = arith.index_cast %get3A_378 : i32 to index
    %get3A_380 = arith.constant 48 : index
    %get3A_381 = tpu.vector_load %arg5[%get3A_379, %get3A_380] {strides = array<i32>} : memref<4x128xi32, #tpu.memory_space<vmem>>, vector<1x16xi32>,
    %get3A_382 = vector.shape_cast %get3A_381 : vector<1x16xi32> to vector<16xi32>
    %shift_right_arithmetic3A_383 = arith.constant 2 : i32
    %shift_right_arithmetic3A_384 = vector.broadcast %shift_right_arithmetic3A_383 : i32 to vector<16xi32>
    %shift_right_arithmetic3A_385 = arith.shrsi %get3A_382, %shift_right_arithmetic3A_384 : vector<16xi32>
    %swap3A_386 = arith.constant 3 : i32
    %swap3A_387 = arith.index_cast %swap3A_386 : i32 to index
    %swap3A_388 = arith.constant 48 : index
    %swap3A_389 = tpu.vector_load %arg6[%swap3A_387, %swap3A_388] {strides = array<i32>} : memref<4x128xi32, #tpu.memory_space<vmem>>, vector<1x16xi32>,
    %swap3A_390 = vector.shape_cast %swap3A_389 : vector<1x16xi32> to vector<16xi32>
    %swap3A_391 = vector.shape_cast %shift_right_arithmetic3A_385 : vector<16xi32> to vector<1x16xi32>
    tpu.vector_store %arg6[%swap3A_387, %swap3A_388], %swap3A_391 {strides = array<i32>} : memref<4x128xi32, #tpu.memory_space<vmem>>, vector<1x16xi32>,
    %get3A_392 = arith.constant 3 : i32
    %get3A_393 = arith.index_cast %get3A_392 : i32 to index
    %get3A_394 = arith.constant 64 : index
    %get3A_395 = tpu.vector_load %arg5[%get3A_393, %get3A_394] {strides = array<i32>} : memref<4x128xi32, #tpu.memory_space<vmem>>, vector<1x16xi32>,
    %get3A_396 = vector.shape_cast %get3A_395 : vector<1x16xi32> to vector<16xi32>
    %shift_right_arithmetic3A_397 = arith.constant 2 : i32
    %shift_right_arithmetic3A_398 = vector.broadcast %shift_right_arithmetic3A_397 : i32 to vector<16xi32>
    %shift_right_arithmetic3A_399 = arith.shrsi %get3A_396, %shift_right_arithmetic3A_398 : vector<16xi32>
    %swap3A_400 = arith.constant 3 : i32
    %swap3A_401 = arith.index_cast %swap3A_400 : i32 to index
    %swap3A_402 = arith.constant 64 : index
    %swap3A_403 = tpu.vector_load %arg6[%swap3A_401, %swap3A_402] {strides = array<i32>} : memref<4x128xi32, #tpu.memory_space<vmem>>, vector<1x16xi32>,
    %swap3A_404 = vector.shape_cast %swap3A_403 : vector<1x16xi32> to vector<16xi32>
    %swap3A_405 = vector.shape_cast %shift_right_arithmetic3A_399 : vector<16xi32> to vector<1x16xi32>
    tpu.vector_store %arg6[%swap3A_401, %swap3A_402], %swap3A_405 {strides = array<i32>} : memref<4x128xi32, #tpu.memory_space<vmem>>, vector<1x16xi32>,
    %get3A_406 = arith.constant 3 : i32
    %get3A_407 = arith.index_cast %get3A_406 : i32 to index
    %get3A_408 = arith.constant 80 : index
    %get3A_409 = tpu.vector_load %arg5[%get3A_407, %get3A_408] {strides = array<i32>} : memref<4x128xi32, #tpu.memory_space<vmem>>, vector<1x16xi32>,
    %get3A_410 = vector.shape_cast %get3A_409 : vector<1x16xi32> to vector<16xi32>
    %shift_right_arithmetic3A_411 = arith.constant 2 : i32
    %shift_right_arithmetic3A_412 = vector.broadcast %shift_right_arithmetic3A_411 : i32 to vector<16xi32>
    %shift_right_arithmetic3A_413 = arith.shrsi %get3A_410, %shift_right_arithmetic3A_412 : vector<16xi32>
    %swap3A_414 = arith.constant 3 : i32
    %swap3A_415 = arith.index_cast %swap3A_414 : i32 to index
    %swap3A_416 = arith.constant 80 : index
    %swap3A_417 = tpu.vector_load %arg6[%swap3A_415, %swap3A_416] {strides = array<i32>} : memref<4x128xi32, #tpu.memory_space<vmem>>, vector<1x16xi32>,
    %swap3A_418 = vector.shape_cast %swap3A_417 : vector<1x16xi32> to vector<16xi32>
    %swap3A_419 = vector.shape_cast %shift_right_arithmetic3A_413 : vector<16xi32> to vector<1x16xi32>
    tpu.vector_store %arg6[%swap3A_415, %swap3A_416], %swap3A_419 {strides = array<i32>} : memref<4x128xi32, #tpu.memory_space<vmem>>, vector<1x16xi32>,
    %get3A_420 = arith.constant 3 : i32
    %get3A_421 = arith.index_cast %get3A_420 : i32 to index
    %get3A_422 = arith.constant 96 : index
    %get3A_423 = tpu.vector_load %arg5[%get3A_421, %get3A_422] {strides = array<i32>} : memref<4x128xi32, #tpu.memory_space<vmem>>, vector<1x16xi32>,
    %get3A_424 = vector.shape_cast %get3A_423 : vector<1x16xi32> to vector<16xi32>
    %shift_right_arithmetic3A_425 = arith.constant 2 : i32
    %shift_right_arithmetic3A_426 = vector.broadcast %shift_right_arithmetic3A_425 : i32 to vector<16xi32>
    %shift_right_arithmetic3A_427 = arith.shrsi %get3A_424, %shift_right_arithmetic3A_426 : vector<16xi32>
    %swap3A_428 = arith.constant 3 : i32
    %swap3A_429 = arith.index_cast %swap3A_428 : i32 to index
    %swap3A_430 = arith.constant 96 : index
    %swap3A_431 = tpu.vector_load %arg6[%swap3A_429, %swap3A_430] {strides = array<i32>} : memref<4x128xi32, #tpu.memory_space<vmem>>, vector<1x16xi32>,
    %swap3A_432 = vector.shape_cast %swap3A_431 : vector<1x16xi32> to vector<16xi32>
    %swap3A_433 = vector.shape_cast %shift_right_arithmetic3A_427 : vector<16xi32> to vector<1x16xi32>
    tpu.vector_store %arg6[%swap3A_429, %swap3A_430], %swap3A_433 {strides = array<i32>} : memref<4x128xi32, #tpu.memory_space<vmem>>, vector<1x16xi32>,
    %get3A_434 = arith.constant 3 : i32
    %get3A_435 = arith.index_cast %get3A_434 : i32 to index
    %get3A_436 = arith.constant 112 : index
    %get3A_437 = tpu.vector_load %arg5[%get3A_435, %get3A_436] {strides = array<i32>} : memref<4x128xi32, #tpu.memory_space<vmem>>, vector<1x16xi32>,
    %get3A_438 = vector.shape_cast %get3A_437 : vector<1x16xi32> to vector<16xi32>
    %shift_right_arithmetic3A_439 = arith.constant 2 : i32
    %shift_right_arithmetic3A_440 = vector.broadcast %shift_right_arithmetic3A_439 : i32 to vector<16xi32>
    %shift_right_arithmetic3A_441 = arith.shrsi %get3A_438, %shift_right_arithmetic3A_440 : vector<16xi32>
    %swap3A_442 = arith.constant 3 : i32
    %swap3A_443 = arith.index_cast %swap3A_442 : i32 to index
    %swap3A_444 = arith.constant 112 : index
    %swap3A_445 = tpu.vector_load %arg6[%swap3A_443, %swap3A_444] {strides = array<i32>} : memref<4x128xi32, #tpu.memory_space<vmem>>, vector<1x16xi32>,
    %swap3A_446 = vector.shape_cast %swap3A_445 : vector<1x16xi32> to vector<16xi32>
    %swap3A_447 = vector.shape_cast %shift_right_arithmetic3A_441 : vector<16xi32> to vector<1x16xi32>
    tpu.vector_store %arg6[%swap3A_443, %swap3A_444], %swap3A_447 {strides = array<i32>} : memref<4x128xi32, #tpu.memory_space<vmem>>, vector<1x16xi32>,
    %dma_start3A = arith.constant 0 : i32
    %dma_start3A_448 = arith.constant 0 : i32
    %dma_start3A_449 = arith.constant 0 : i32
    %dma_start3A_450 = tpu.memref_slice %arg7[%dma_start3A_448, %dma_start3A_449] : memref<512x128xf32, #tpu.memory_space<vmem>> -> memref<128x128xf32, #tpu.memory_space<vmem>>
    %dma_start3A_451 = arith.constant 0 : i32
    %dma_start3A_452 = tpu.memref_slice %arg6[%dma_start3A, %dma_start3A_451] : memref<4x128xi32, #tpu.memory_space<vmem>> -> memref<1x128xi32, #tpu.memory_space<vmem>>
    %dma_start3A_453 = tpu.memref_squeeze %dma_start3A_452 : memref<1x128xi32, #tpu.memory_space<vmem>> -> memref<128xi32, #tpu.memory_space<vmem>>
    %dma_start3A_454 = arith.constant 0 : i32
    %dma_start3A_455 = arith.constant 0 : i32
    %dma_start3A_456 = tpu.memref_slice %arg3[%dma_start3A_454, %dma_start3A_455] : memref<2048x128xf32, #tpu.memory_space<hbm>> -> memref<2048x128xf32, #tpu.memory_space<hbm>>
    tpu.enqueue_indirect_dma source(%dma_start3A_456 : memref<2048x128xf32, #tpu.memory_space<hbm>>) target(%dma_start3A_450 : memref<128x128xf32, #tpu.memory_space<vmem>>) offsets(%dma_start3A_453 : memref<128xi32, #tpu.memory_space<vmem>>) semaphore(%arg8 : memref<!tpu.dma_semaphore, #tpu.memory_space<semaphore_mem>>)
    %dma_wait3A = arith.constant 0 : i32
    %dma_wait3A_457 = arith.constant 0 : i32
    %dma_wait3A_458 = arith.constant 0 : i32
    %dma_wait3A_459 = tpu.memref_slice %arg7[%dma_wait3A_457, %dma_wait3A_458] : memref<512x128xf32, #tpu.memory_space<vmem>> -> memref<128x128xf32, #tpu.memory_space<vmem>>
    %dma_wait3A_460 = arith.constant 0 : i32
    %dma_wait3A_461 = tpu.memref_slice %arg6[%dma_wait3A, %dma_wait3A_460] : memref<4x128xi32, #tpu.memory_space<vmem>> -> memref<1x128xi32, #tpu.memory_space<vmem>>
    %dma_wait3A_462 = tpu.memref_squeeze %dma_wait3A_461 : memref<1x128xi32, #tpu.memory_space<vmem>> -> memref<128xi32, #tpu.memory_space<vmem>>
    %dma_wait3A_463 = arith.constant 0 : i32
    %dma_wait3A_464 = arith.constant 0 : i32
    %dma_wait3A_465 = tpu.memref_slice %arg3[%dma_wait3A_463, %dma_wait3A_464] : memref<2048x128xf32, #tpu.memory_space<hbm>> -> memref<2048x128xf32, #tpu.memory_space<hbm>>
    tpu.wait_indirect_dma semaphore(%arg8 : memref<!tpu.dma_semaphore, #tpu.memory_space<semaphore_mem>>) src(%dma_wait3A_465 : memref<2048x128xf32, #tpu.memory_space<hbm>>) dst(%dma_wait3A_459 : memref<128x128xf32, #tpu.memory_space<vmem>>)
    %dma_start3A_466 = arith.constant 1 : i32
    %dma_start3A_467 = arith.constant 128 : i32
    %dma_start3A_468 = arith.constant 0 : i32
    %dma_start3A_469 = tpu.memref_slice %arg7[%dma_start3A_467, %dma_start3A_468] : memref<512x128xf32, #tpu.memory_space<vmem>> -> memref<128x128xf32, #tpu.memory_space<vmem>>
    %dma_start3A_470 = arith.constant 0 : i32
    %dma_start3A_471 = tpu.memref_slice %arg6[%dma_start3A_466, %dma_start3A_470] : memref<4x128xi32, #tpu.memory_space<vmem>> -> memref<1x128xi32, #tpu.memory_space<vmem>>
    %dma_start3A_472 = tpu.memref_squeeze %dma_start3A_471 : memref<1x128xi32, #tpu.memory_space<vmem>> -> memref<128xi32, #tpu.memory_space<vmem>>
    %dma_start3A_473 = arith.constant 0 : i32
    %dma_start3A_474 = arith.constant 0 : i32
    %dma_start3A_475 = tpu.memref_slice %arg3[%dma_start3A_473, %dma_start3A_474] : memref<2048x128xf32, #tpu.memory_space<hbm>> -> memref<2048x128xf32, #tpu.memory_space<hbm>>
    tpu.enqueue_indirect_dma source(%dma_start3A_475 : memref<2048x128xf32, #tpu.memory_space<hbm>>) target(%dma_start3A_469 : memref<128x128xf32, #tpu.memory_space<vmem>>) offsets(%dma_start3A_472 : memref<128xi32, #tpu.memory_space<vmem>>) semaphore(%arg8 : memref<!tpu.dma_semaphore, #tpu.memory_space<semaphore_mem>>)
    %dma_wait3A_476 = arith.constant 1 : i32
    %dma_wait3A_477 = arith.constant 128 : i32
    %dma_wait3A_478 = arith.constant 0 : i32
    %dma_wait3A_479 = tpu.memref_slice %arg7[%dma_wait3A_477, %dma_wait3A_478] : memref<512x128xf32, #tpu.memory_space<vmem>> -> memref<128x128xf32, #tpu.memory_space<vmem>>
    %dma_wait3A_480 = arith.constant 0 : i32
    %dma_wait3A_481 = tpu.memref_slice %arg6[%dma_wait3A_476, %dma_wait3A_480] : memref<4x128xi32, #tpu.memory_space<vmem>> -> memref<1x128xi32, #tpu.memory_space<vmem>>
    %dma_wait3A_482 = tpu.memref_squeeze %dma_wait3A_481 : memref<1x128xi32, #tpu.memory_space<vmem>> -> memref<128xi32, #tpu.memory_space<vmem>>
    %dma_wait3A_483 = arith.constant 0 : i32
    %dma_wait3A_484 = arith.constant 0 : i32
    %dma_wait3A_485 = tpu.memref_slice %arg3[%dma_wait3A_483, %dma_wait3A_484] : memref<2048x128xf32, #tpu.memory_space<hbm>> -> memref<2048x128xf32, #tpu.memory_space<hbm>>
    tpu.wait_indirect_dma semaphore(%arg8 : memref<!tpu.dma_semaphore, #tpu.memory_space<semaphore_mem>>) src(%dma_wait3A_485 : memref<2048x128xf32, #tpu.memory_space<hbm>>) dst(%dma_wait3A_479 : memref<128x128xf32, #tpu.memory_space<vmem>>)
    %dma_start3A_486 = arith.constant 2 : i32
    %dma_start3A_487 = arith.constant 256 : i32
    %dma_start3A_488 = arith.constant 0 : i32
    %dma_start3A_489 = tpu.memref_slice %arg7[%dma_start3A_487, %dma_start3A_488] : memref<512x128xf32, #tpu.memory_space<vmem>> -> memref<128x128xf32, #tpu.memory_space<vmem>>
    %dma_start3A_490 = arith.constant 0 : i32
    %dma_start3A_491 = tpu.memref_slice %arg6[%dma_start3A_486, %dma_start3A_490] : memref<4x128xi32, #tpu.memory_space<vmem>> -> memref<1x128xi32, #tpu.memory_space<vmem>>
    %dma_start3A_492 = tpu.memref_squeeze %dma_start3A_491 : memref<1x128xi32, #tpu.memory_space<vmem>> -> memref<128xi32, #tpu.memory_space<vmem>>
    %dma_start3A_493 = arith.constant 0 : i32
    %dma_start3A_494 = arith.constant 0 : i32
    %dma_start3A_495 = tpu.memref_slice %arg3[%dma_start3A_493, %dma_start3A_494] : memref<2048x128xf32, #tpu.memory_space<hbm>> -> memref<2048x128xf32, #tpu.memory_space<hbm>>
    tpu.enqueue_indirect_dma source(%dma_start3A_495 : memref<2048x128xf32, #tpu.memory_space<hbm>>) target(%dma_start3A_489 : memref<128x128xf32, #tpu.memory_space<vmem>>) offsets(%dma_start3A_492 : memref<128xi32, #tpu.memory_space<vmem>>) semaphore(%arg8 : memref<!tpu.dma_semaphore, #tpu.memory_space<semaphore_mem>>)
    %dma_wait3A_496 = arith.constant 2 : i32
    %dma_wait3A_497 = arith.constant 256 : i32
    %dma_wait3A_498 = arith.constant 0 : i32
    %dma_wait3A_499 = tpu.memref_slice %arg7[%dma_wait3A_497, %dma_wait3A_498] : memref<512x128xf32, #tpu.memory_space<vmem>> -> memref<128x128xf32, #tpu.memory_space<vmem>>
    %dma_wait3A_500 = arith.constant 0 : i32
    %dma_wait3A_501 = tpu.memref_slice %arg6[%dma_wait3A_496, %dma_wait3A_500] : memref<4x128xi32, #tpu.memory_space<vmem>> -> memref<1x128xi32, #tpu.memory_space<vmem>>
    %dma_wait3A_502 = tpu.memref_squeeze %dma_wait3A_501 : memref<1x128xi32, #tpu.memory_space<vmem>> -> memref<128xi32, #tpu.memory_space<vmem>>
    %dma_wait3A_503 = arith.constant 0 : i32
    %dma_wait3A_504 = arith.constant 0 : i32
    %dma_wait3A_505 = tpu.memref_slice %arg3[%dma_wait3A_503, %dma_wait3A_504] : memref<2048x128xf32, #tpu.memory_space<hbm>> -> memref<2048x128xf32, #tpu.memory_space<hbm>>
    tpu.wait_indirect_dma semaphore(%arg8 : memref<!tpu.dma_semaphore, #tpu.memory_space<semaphore_mem>>) src(%dma_wait3A_505 : memref<2048x128xf32, #tpu.memory_space<hbm>>) dst(%dma_wait3A_499 : memref<128x128xf32, #tpu.memory_space<vmem>>)
    %dma_start3A_506 = arith.constant 3 : i32
    %dma_start3A_507 = arith.constant 384 : i32
    %dma_start3A_508 = arith.constant 0 : i32
    %dma_start3A_509 = tpu.memref_slice %arg7[%dma_start3A_507, %dma_start3A_508] : memref<512x128xf32, #tpu.memory_space<vmem>> -> memref<128x128xf32, #tpu.memory_space<vmem>>
    %dma_start3A_510 = arith.constant 0 : i32
    %dma_start3A_511 = tpu.memref_slice %arg6[%dma_start3A_506, %dma_start3A_510] : memref<4x128xi32, #tpu.memory_space<vmem>> -> memref<1x128xi32, #tpu.memory_space<vmem>>
    %dma_start3A_512 = tpu.memref_squeeze %dma_start3A_511 : memref<1x128xi32, #tpu.memory_space<vmem>> -> memref<128xi32, #tpu.memory_space<vmem>>
    %dma_start3A_513 = arith.constant 0 : i32
    %dma_start3A_514 = arith.constant 0 : i32
    %dma_start3A_515 = tpu.memref_slice %arg3[%dma_start3A_513, %dma_start3A_514] : memref<2048x128xf32, #tpu.memory_space<hbm>> -> memref<2048x128xf32, #tpu.memory_space<hbm>>
    tpu.enqueue_indirect_dma source(%dma_start3A_515 : memref<2048x128xf32, #tpu.memory_space<hbm>>) target(%dma_start3A_509 : memref<128x128xf32, #tpu.memory_space<vmem>>) offsets(%dma_start3A_512 : memref<128xi32, #tpu.memory_space<vmem>>) semaphore(%arg8 : memref<!tpu.dma_semaphore, #tpu.memory_space<semaphore_mem>>)
    %dma_wait3A_516 = arith.constant 3 : i32
    %dma_wait3A_517 = arith.constant 384 : i32
    %dma_wait3A_518 = arith.constant 0 : i32
    %dma_wait3A_519 = tpu.memref_slice %arg7[%dma_wait3A_517, %dma_wait3A_518] : memref<512x128xf32, #tpu.memory_space<vmem>> -> memref<128x128xf32, #tpu.memory_space<vmem>>
    %dma_wait3A_520 = arith.constant 0 : i32
    %dma_wait3A_521 = tpu.memref_slice %arg6[%dma_wait3A_516, %dma_wait3A_520] : memref<4x128xi32, #tpu.memory_space<vmem>> -> memref<1x128xi32, #tpu.memory_space<vmem>>
    %dma_wait3A_522 = tpu.memref_squeeze %dma_wait3A_521 : memref<1x128xi32, #tpu.memory_space<vmem>> -> memref<128xi32, #tpu.memory_space<vmem>>
    %dma_wait3A_523 = arith.constant 0 : i32
    %dma_wait3A_524 = arith.constant 0 : i32
    %dma_wait3A_525 = tpu.memref_slice %arg3[%dma_wait3A_523, %dma_wait3A_524] : memref<2048x128xf32, #tpu.memory_space<hbm>> -> memref<2048x128xf32, #tpu.memory_space<hbm>>
    tpu.wait_indirect_dma semaphore(%arg8 : memref<!tpu.dma_semaphore, #tpu.memory_space<semaphore_mem>>) src(%dma_wait3A_525 : memref<2048x128xf32, #tpu.memory_space<hbm>>) dst(%dma_wait3A_519 : memref<128x128xf32, #tpu.memory_space<vmem>>)
    %mul3A_526 = arith.constant 512 : i32
    %mul3A_527 = arith.muli %add3A, %mul3A_526 : i32
    "tpu.region"() ({
      %run_scoped3A = tpu.sem_alloc : memref<!tpu.dma_semaphore, #tpu.memory_space<semaphore_mem>>
      %dma_start3A_528 = arith.constant 0 : i32
      %dma_start3A_529 = tpu.memref_slice %arg4[%mul3A_527, %dma_start3A_528] : memref<16384x128xf32, #tpu.memory_space<hbm>> -> memref<512x128xf32, #tpu.memory_space<hbm>>
      %dma_start3A_530 = arith.constant 0 : i32
      %dma_start3A_531 = tpu.memref_slice %arg4[%mul3A_527, %dma_start3A_530] : memref<16384x128xf32, #tpu.memory_space<hbm>> -> memref<512x128xf32, #tpu.memory_space<hbm>>
      tpu.enqueue_dma source(%arg7 : memref<512x128xf32, #tpu.memory_space<vmem>>) target(%dma_start3A_531 : memref<512x128xf32, #tpu.memory_space<hbm>>) target_semaphore(%run_scoped3A : memref<!tpu.dma_semaphore, #tpu.memory_space<semaphore_mem>>)
      %dma_wait3A_532 = arith.constant 0 : i32
      %dma_wait3A_533 = tpu.memref_slice %arg4[%mul3A_527, %dma_wait3A_532] : memref<16384x128xf32, #tpu.memory_space<hbm>> -> memref<512x128xf32, #tpu.memory_space<hbm>>
      %dma_wait3A_534 = arith.constant 0 : i32
      %dma_wait3A_535 = tpu.memref_slice %arg4[%mul3A_527, %dma_wait3A_534] : memref<16384x128xf32, #tpu.memory_space<hbm>> -> memref<512x128xf32, #tpu.memory_space<hbm>>
      tpu.wait_dma2 semaphore(%run_scoped3A : memref<!tpu.dma_semaphore, #tpu.memory_space<semaphore_mem>>) src(%arg7 : memref<512x128xf32, #tpu.memory_space<vmem>>) dst(%dma_wait3A_535 : memref<512x128xf32, #tpu.memory_space<hbm>>)
      tpu.yield
    }) : () -> ()
    return
  }
}

module attributes {stable_mosaic.version = 14 : i64} {
  func.func @_dist_kernel(%arg0: i32, %arg1: memref<512x32xbf16, #tpu.memory_space<vmem>>, %arg2: memref<512xf32, #tpu.memory_space<vmem>>, %arg3: memref<8192x32xf32, #tpu.memory_space<vmem>>, %arg4: memref<8192xf32, #tpu.memory_space<vmem>>, %arg5: memref<512xi32, #tpu.memory_space<vmem>>, %arg6: memref<512xf32, #tpu.memory_space<vmem>>) attributes {dimension_semantics = [#tpu.dimension_semantics<arbitrary>], iteration_bounds = array<i64: 32>, scalar_prefetch = 0 : i64, scratch_operands = 0 : i64, tpu.core_type = #tpu.core_type<tc>, window_params = [{transform_indices = @transform_0, window_bounds = array<i64: 512, 32>}, {transform_indices = @transform_1, window_bounds = array<i64: 512>}, {pipeline_mode = #tpu.pipeline_mode<synchronous>, transform_indices = @transform_2, window_bounds = array<i64: 8192, 32>}, {pipeline_mode = #tpu.pipeline_mode<synchronous>, transform_indices = @transform_3, window_bounds = array<i64: 8192>}, {transform_indices = @transform_4, window_bounds = array<i64: 512>}, {transform_indices = @transform_5, window_bounds = array<i64: 512>}]} {
    %get3A = arith.constant 0 : index
    %get3A_0 = arith.constant 0 : index
    %get3A_1 = vector.load %arg1[%get3A, %get3A_0] : memref<512x32xbf16, #tpu.memory_space<vmem>>, vector<512x32xbf16>
    %convert_element_type3A = arith.extf %get3A_1 : vector<512x32xbf16> to vector<512x32xf32>
    %get3A_2 = arith.constant 0 : index
    %get3A_3 = vector.load %arg2[%get3A_2] : memref<512xf32, #tpu.memory_space<vmem>>, vector<512xf32>
    %broadcast_in_dim3A = vector.shape_cast %get3A_3 : vector<512xf32> to vector<512x1xf32>
    %broadcast_in_dim3A_4 = arith.constant 0x7F800000 : f32
    %broadcast_in_dim3A_5 = vector.broadcast %broadcast_in_dim3A_4 : f32 to vector<512xf32>
    %broadcast_in_dim3A_6 = arith.constant 0 : i32
    %broadcast_in_dim3A_7 = vector.broadcast %broadcast_in_dim3A_6 : i32 to vector<512xi32>
    %scan3A = arith.constant 0 : i32
    %scan3A_8 = arith.constant 4 : i32
    %scan3A_9 = arith.addi %scan3A, %scan3A_8 : i32
    %scan3A_10 = arith.constant 1 : i32
    %scan3A_11:2 = scf.for %scan3A_16 = %scan3A to %scan3A_9 step %scan3A_10 iter_args(%scan3A_17 = %broadcast_in_dim3A_5, %scan3A_18 = %broadcast_in_dim3A_7) -> (vector<512xf32>, vector<512xi32>)  : i32 {
      %mul3A = arith.constant 2048 : i32
      %mul3A_19 = arith.muli %scan3A_16, %mul3A : i32
      %get3A_20 = arith.index_cast %mul3A_19 : i32 to index
      %get3A_21 = arith.constant 0 : index
      %get3A_22 = vector.load %arg3[%get3A_20, %get3A_21] : memref<8192x32xf32, #tpu.memory_space<vmem>>, vector<2048x32xf32>
      %mul3A_23 = arith.constant 2048 : i32
      %mul3A_24 = arith.muli %scan3A_16, %mul3A_23 : i32
      %get3A_25 = arith.index_cast %mul3A_24 : i32 to index
      %get3A_26 = vector.load %arg4[%get3A_25] : memref<8192xf32, #tpu.memory_space<vmem>>, vector<2048xf32>
      %dot_general3A = arith.constant dense<0.000000e+00> : vector<512x2048xf32>
      %dot_general3A_27 = tpu.matmul %convert_element_type3A, %get3A_22, %dot_general3A {dimension_numbers = #tpu.dot_dimension_numbers<[1], [1], [0], [0], [0, 0, 1, 0], [], []>, precision = #tpu.contract_precision<fp32>, transpose_lhs_hint = false} : vector<512x32xf32>, vector<2048x32xf32>, vector<512x2048xf32> -> vector<512x2048xf32>
      %broadcast_in_dim3A_28 = vector.shape_cast %get3A_26 : vector<2048xf32> to vector<1x2048xf32>
      %add3A = vector.broadcast %broadcast_in_dim3A : vector<512x1xf32> to vector<512x2048xf32>
      %add3A_29 = vector.broadcast %broadcast_in_dim3A_28 : vector<1x2048xf32> to vector<512x2048xf32>
      %add3A_30 = arith.addf %add3A, %add3A_29 : vector<512x2048xf32>
      %mul3A_31 = arith.constant 2.000000e+00 : f32
      %mul3A_32 = vector.broadcast %mul3A_31 : f32 to vector<512x2048xf32>
      %mul3A_33 = arith.mulf %mul3A_32, %dot_general3A_27 : vector<512x2048xf32>
      %sub3A = arith.subf %add3A_30, %mul3A_33 : vector<512x2048xf32>
      %reduce_min3A = arith.constant dense<0x7F800000> : vector<512xf32>
      %reduce_min3A_34 = vector.multi_reduction <minimumf>, %sub3A, %reduce_min3A [1] : vector<512x2048xf32> to vector<512xf32>
      %broadcast_in_dim3A_35 = vector.shape_cast %reduce_min3A_34 : vector<512xf32> to vector<512x1xf32>
      %eq3A = vector.broadcast %broadcast_in_dim3A_35 : vector<512x1xf32> to vector<512x2048xf32>
      %eq3A_36 = arith.cmpf oeq, %sub3A, %eq3A : vector<512x2048xf32>
      %iota3A = tpu.iota {dimensions = array<i32: 1>} : vector<512x2048xi32>
      %jit3A = arith.constant 1073741824 : i32
      %broadcast_in_dim3A_37 = vector.broadcast %jit3A : i32 to vector<512x2048xi32>
      %select_n3A = arith.select %eq3A_36, %iota3A, %broadcast_in_dim3A_37 : vector<512x2048xi1>, vector<512x2048xi32>
      %reduce_min3A_38 = arith.constant dense<2147483647> : vector<512xi32>
      %reduce_min3A_39 = vector.multi_reduction <minsi>, %select_n3A, %reduce_min3A_38 [1] : vector<512x2048xi32> to vector<512xi32>
      %mul3A_40 = arith.constant 2048 : i32
      %mul3A_41 = arith.muli %scan3A_16, %mul3A_40 : i32
      %add3A_42 = vector.broadcast %mul3A_41 : i32 to vector<512xi32>
      %add3A_43 = arith.addi %reduce_min3A_39, %add3A_42 : vector<512xi32>
      %lt3A = arith.cmpf olt, %reduce_min3A_34, %scan3A_17 : vector<512xf32>
      %select_n3A_44 = arith.select %lt3A, %reduce_min3A_34, %scan3A_17 : vector<512xi1>, vector<512xf32>
      %select_n3A_45 = arith.select %lt3A, %add3A_43, %scan3A_18 : vector<512xi1>, vector<512xi32>
      scf.yield %select_n3A_44, %select_n3A_45 : vector<512xf32>, vector<512xi32>
    }
    %scan3A_12 = arith.constant 4 : i32
    %swap3A = arith.constant 0 : index
    %swap3A_13 = vector.load %arg5[%swap3A] : memref<512xi32, #tpu.memory_space<vmem>>, vector<512xi32>
    tpu.vector_store %arg5[%swap3A], %scan3A_11#1 {strides = array<i32>} : memref<512xi32, #tpu.memory_space<vmem>>, vector<512xi32>,
    %swap3A_14 = arith.constant 0 : index
    %swap3A_15 = vector.load %arg6[%swap3A_14] : memref<512xf32, #tpu.memory_space<vmem>>, vector<512xf32>
    tpu.vector_store %arg6[%swap3A_14], %scan3A_11#0 {strides = array<i32>} : memref<512xf32, #tpu.memory_space<vmem>>, vector<512xf32>,
    return
  }
  func.func @transform_0(%arg0: i32) -> (i32, i32) {
    %c0_i32 = arith.constant 0 : i32
    %c0_i32_0 = arith.constant 0 : i32
    return %arg0, %c0_i32 : i32, i32
  }
  func.func @transform_1(%arg0: i32) -> i32 {
    %c0_i32 = arith.constant 0 : i32
    return %arg0 : i32
  }
  func.func @transform_2(%arg0: i32) -> (i32, i32) {
    %c0_i32 = arith.constant 0 : i32
    %c0_i32_0 = arith.constant 0 : i32
    %c0_i32_1 = arith.constant 0 : i32
    return %c0_i32, %c0_i32_0 : i32, i32
  }
  func.func @transform_3(%arg0: i32) -> i32 {
    %c0_i32 = arith.constant 0 : i32
    %c0_i32_0 = arith.constant 0 : i32
    return %c0_i32 : i32
  }
  func.func @transform_4(%arg0: i32) -> i32 {
    %c0_i32 = arith.constant 0 : i32
    return %arg0 : i32
  }
  func.func @transform_5(%arg0: i32) -> i32 {
    %c0_i32 = arith.constant 0 : i32
    return %arg0 : i32
  }
}

module attributes {stable_mosaic.version = 14 : i64} {
  func.func @_fin_kernel(%arg0: i32, %arg1: memref<256xi32, #tpu.memory_space<vmem>>, %arg2: memref<256x32xf32, #tpu.memory_space<vmem>>, %arg3: memref<256x128xf32, #tpu.memory_space<vmem>>, %arg4: memref<256x32xf32, #tpu.memory_space<vmem>>, %arg5: memref<8192xf32, #tpu.memory_space<vmem>>, %arg6: memref<1x1xf32, #tpu.memory_space<vmem>>, %arg7: memref<1x1xf32, #tpu.memory_space<vmem>>) attributes {dimension_semantics = [#tpu.dimension_semantics<arbitrary>], iteration_bounds = array<i64: 64>, scalar_prefetch = 0 : i64, scratch_operands = 0 : i64, tpu.core_type = #tpu.core_type<tc>, window_params = [{transform_indices = @transform_0, window_bounds = array<i64: 256>}, {transform_indices = @transform_1, window_bounds = array<i64: 256, 32>}, {transform_indices = @transform_2, window_bounds = array<i64: 256, 128>}, {transform_indices = @transform_3, window_bounds = array<i64: 256, 32>}, {pipeline_mode = #tpu.pipeline_mode<synchronous>, transform_indices = @transform_4, window_bounds = array<i64: 8192>}, {pipeline_mode = #tpu.pipeline_mode<synchronous>, transform_indices = @transform_5, window_bounds = array<i64: 1, 1>}, {pipeline_mode = #tpu.pipeline_mode<synchronous>, transform_indices = @transform_6, window_bounds = array<i64: 1, 1>}]} {
    %get3A = arith.constant 0 : index
    %get3A_0 = arith.constant 0 : index
    %get3A_1 = vector.load %arg2[%get3A, %get3A_0] : memref<256x32xf32, #tpu.memory_space<vmem>>, vector<256x32xf32>
    %get3A_2 = arith.constant 0 : index
    %get3A_3 = arith.constant 0 : index
    %get3A_4 = vector.load %arg3[%get3A_2, %get3A_3] : memref<256x128xf32, #tpu.memory_space<vmem>>, vector<256x128xf32>
    %get3A_5 = arith.constant 0 : index
    %get3A_6 = vector.load %arg1[%get3A_5] : memref<256xi32, #tpu.memory_space<vmem>>, vector<256xi32>
    %and3A = arith.constant 3 : i32
    %and3A_7 = vector.broadcast %and3A : i32 to vector<256xi32>
    %and3A_8 = arith.andi %get3A_6, %and3A_7 : vector<256xi32>
    %broadcast_in_dim3A = vector.shape_cast %and3A_8 : vector<256xi32> to vector<256x1xi32>
    %eq3A = arith.constant 0 : i32
    %eq3A_9 = vector.broadcast %eq3A : i32 to vector<256x1xi32>
    %eq3A_10 = arith.cmpi eq, %broadcast_in_dim3A, %eq3A_9 : vector<256x1xi32>
    %slice3A = vector.extract_strided_slice %get3A_4 {offsets = [0, 0], sizes = [256, 32], strides = [1, 1]} : vector<256x128xf32> to vector<256x32xf32>
    %eq3A_11 = arith.constant 1 : i32
    %eq3A_12 = vector.broadcast %eq3A_11 : i32 to vector<256x1xi32>
    %eq3A_13 = arith.cmpi eq, %broadcast_in_dim3A, %eq3A_12 : vector<256x1xi32>
    %slice3A_14 = vector.extract_strided_slice %get3A_4 {offsets = [0, 32], sizes = [256, 32], strides = [1, 1]} : vector<256x128xf32> to vector<256x32xf32>
    %eq3A_15 = arith.constant 2 : i32
    %eq3A_16 = vector.broadcast %eq3A_15 : i32 to vector<256x1xi32>
    %eq3A_17 = arith.cmpi eq, %broadcast_in_dim3A, %eq3A_16 : vector<256x1xi32>
    %slice3A_18 = vector.extract_strided_slice %get3A_4 {offsets = [0, 64], sizes = [256, 32], strides = [1, 1]} : vector<256x128xf32> to vector<256x32xf32>
    %slice3A_19 = vector.extract_strided_slice %get3A_4 {offsets = [0, 96], sizes = [256, 32], strides = [1, 1]} : vector<256x128xf32> to vector<256x32xf32>
    %broadcast_in_dim3A_20 = vector.shape_cast %eq3A_17 : vector<256x1xi1> to vector<256x1xi1>
    %broadcast_in_dim3A_21 = vector.broadcast %broadcast_in_dim3A_20 : vector<256x1xi1> to vector<256x32xi1>
    %select_n3A = arith.select %broadcast_in_dim3A_21, %slice3A_18, %slice3A_19 : vector<256x32xi1>, vector<256x32xf32>
    %broadcast_in_dim3A_22 = vector.shape_cast %eq3A_13 : vector<256x1xi1> to vector<256x1xi1>
    %broadcast_in_dim3A_23 = vector.broadcast %broadcast_in_dim3A_22 : vector<256x1xi1> to vector<256x32xi1>
    %select_n3A_24 = arith.select %broadcast_in_dim3A_23, %slice3A_14, %select_n3A : vector<256x32xi1>, vector<256x32xf32>
    %broadcast_in_dim3A_25 = vector.shape_cast %eq3A_10 : vector<256x1xi1> to vector<256x1xi1>
    %broadcast_in_dim3A_26 = vector.broadcast %broadcast_in_dim3A_25 : vector<256x1xi1> to vector<256x32xi1>
    %select_n3A_27 = arith.select %broadcast_in_dim3A_26, %slice3A, %select_n3A_24 : vector<256x32xi1>, vector<256x32xf32>
    %convert_element_type3A = arith.truncf %select_n3A_27 : vector<256x32xf32> to vector<256x32xbf16>
    %convert_element_type3A_28 = arith.extf %convert_element_type3A : vector<256x32xbf16> to vector<256x32xf32>
    %sub3A = arith.subf %convert_element_type3A_28, %get3A_1 : vector<256x32xf32>
    %add3A = arith.addf %get3A_1, %sub3A : vector<256x32xf32>
    %swap3A = arith.constant 0 : index
    %swap3A_29 = arith.constant 0 : index
    %swap3A_30 = vector.load %arg4[%swap3A, %swap3A_29] : memref<256x32xf32, #tpu.memory_space<vmem>>, vector<256x32xf32>
    tpu.vector_store %arg4[%swap3A, %swap3A_29], %add3A {strides = array<i32>} : memref<256x32xf32, #tpu.memory_space<vmem>>, vector<256x32xf32>,
    %sub3A_31 = arith.subf %convert_element_type3A_28, %get3A_1 : vector<256x32xf32>
    %mul3A = arith.mulf %sub3A_31, %sub3A_31 : vector<256x32xf32>
    %reduce_sum3A = vector.shape_cast %mul3A : vector<256x32xf32> to vector<1x256x32xf32>
    %reduce_sum3A_32 = arith.constant dense<0.000000e+00> : vector<1xf32>
    %reduce_sum3A_33 = vector.multi_reduction <add>, %reduce_sum3A, %reduce_sum3A_32 [1, 2] : vector<1x256x32xf32> to vector<1xf32>
    %reduce_sum3A_34 = vector.shape_cast %reduce_sum3A_33 : vector<1xf32> to vector<1x1x1xf32>
    %reduce_sum3A_35 = vector.extract %reduce_sum3A_34[0, 0, 0] : f32 from vector<1x1x1xf32>
    %get3A_36 = arith.constant 0 : index
    %get3A_37 = vector.load %arg1[%get3A_36] : memref<256xi32, #tpu.memory_space<vmem>>, vector<256xi32>
    %broadcast_in_dim3A_38 = vector.shape_cast %get3A_37 : vector<256xi32> to vector<256x1xi32>
    %iota3A = tpu.iota {dimensions = array<i32: 1>} : vector<256x8192xi32>
    %eq3A_39 = vector.broadcast %broadcast_in_dim3A_38 : vector<256x1xi32> to vector<256x8192xi32>
    %eq3A_40 = arith.cmpi eq, %eq3A_39, %iota3A : vector<256x8192xi32>
    %jit3A = arith.constant 1.000000e+00 : f32
    %jit3A_41 = arith.constant 0.000000e+00 : f32
    %broadcast_in_dim3A_42 = vector.broadcast %jit3A : f32 to vector<256x8192xf32>
    %broadcast_in_dim3A_43 = vector.broadcast %jit3A_41 : f32 to vector<256x8192xf32>
    %select_n3A_44 = arith.select %eq3A_40, %broadcast_in_dim3A_42, %broadcast_in_dim3A_43 : vector<256x8192xi1>, vector<256x8192xf32>
    %reduce_sum3A_45 = arith.constant dense<0.000000e+00> : vector<8192xf32>
    %reduce_sum3A_46 = vector.multi_reduction <add>, %select_n3A_44, %reduce_sum3A_45 [0] : vector<256x8192xf32> to vector<8192xf32>
    %eq3A_47 = arith.constant 0 : i32
    %eq3A_48 = arith.cmpi eq, %arg0, %eq3A_47 : i32
    %convert_element_type3A_49 = arith.extui %eq3A_48 : i1 to i32
    %cond3A = arith.constant 0 : i32
    %cond3A_50 = arith.cmpi ne, %convert_element_type3A_49, %cond3A : i32
    scf.if %cond3A_50 {
      %broadcast_in_dim3A_69 = arith.constant 0.000000e+00 : f32
      %broadcast_in_dim3A_70 = vector.broadcast %broadcast_in_dim3A_69 : f32 to vector<8192xf32>
      %swap3A_71 = arith.constant 0 : index
      %swap3A_72 = vector.load %arg5[%swap3A_71] : memref<8192xf32, #tpu.memory_space<vmem>>, vector<8192xf32>
      tpu.vector_store %arg5[%swap3A_71], %broadcast_in_dim3A_70 {strides = array<i32>} : memref<8192xf32, #tpu.memory_space<vmem>>, vector<8192xf32>,
      %broadcast_in_dim3A_73 = arith.constant 0.000000e+00 : f32
      %broadcast_in_dim3A_74 = vector.broadcast %broadcast_in_dim3A_73 : f32 to vector<1x1xf32>
      %swap3A_75 = arith.constant 0 : index
      %swap3A_76 = arith.constant 0 : index
      %swap3A_77 = vector.load %arg6[%swap3A_75, %swap3A_76] : memref<1x1xf32, #tpu.memory_space<vmem>>, vector<1x1xf32>
      tpu.vector_store %arg6[%swap3A_75, %swap3A_76], %broadcast_in_dim3A_74 {strides = array<i32>} : memref<1x1xf32, #tpu.memory_space<vmem>>, vector<1x1xf32>,
      %broadcast_in_dim3A_78 = arith.constant 0.000000e+00 : f32
      %broadcast_in_dim3A_79 = vector.broadcast %broadcast_in_dim3A_78 : f32 to vector<1x1xf32>
      %swap3A_80 = arith.constant 0 : index
      %swap3A_81 = arith.constant 0 : index
      %swap3A_82 = vector.load %arg7[%swap3A_80, %swap3A_81] : memref<1x1xf32, #tpu.memory_space<vmem>>, vector<1x1xf32>
      tpu.vector_store %arg7[%swap3A_80, %swap3A_81], %broadcast_in_dim3A_79 {strides = array<i32>} : memref<1x1xf32, #tpu.memory_space<vmem>>, vector<1x1xf32>,
    } else {
    }
    %get3A_51 = arith.constant 0 : index
    %get3A_52 = vector.load %arg5[%get3A_51] : memref<8192xf32, #tpu.memory_space<vmem>>, vector<8192xf32>
    %add3A_53 = arith.addf %get3A_52, %reduce_sum3A_46 : vector<8192xf32>
    %swap3A_54 = arith.constant 0 : index
    %swap3A_55 = vector.load %arg5[%swap3A_54] : memref<8192xf32, #tpu.memory_space<vmem>>, vector<8192xf32>
    tpu.vector_store %arg5[%swap3A_54], %add3A_53 {strides = array<i32>} : memref<8192xf32, #tpu.memory_space<vmem>>, vector<8192xf32>,
    %get3A_56 = arith.constant 0 : index
    %get3A_57 = arith.constant 0 : index
    %get3A_58 = vector.load %arg6[%get3A_56, %get3A_57] : memref<1x1xf32, #tpu.memory_space<vmem>>, vector<1x1xf32>
    %add3A_59 = vector.broadcast %reduce_sum3A_35 : f32 to vector<1x1xf32>
    %add3A_60 = arith.addf %get3A_58, %add3A_59 : vector<1x1xf32>
    %swap3A_61 = arith.constant 0 : index
    %swap3A_62 = arith.constant 0 : index
    %swap3A_63 = vector.load %arg6[%swap3A_61, %swap3A_62] : memref<1x1xf32, #tpu.memory_space<vmem>>, vector<1x1xf32>
    tpu.vector_store %arg6[%swap3A_61, %swap3A_62], %add3A_60 {strides = array<i32>} : memref<1x1xf32, #tpu.memory_space<vmem>>, vector<1x1xf32>,
    %eq3A_64 = arith.constant 63 : i32
    %eq3A_65 = arith.cmpi eq, %arg0, %eq3A_64 : i32
    %convert_element_type3A_66 = arith.extui %eq3A_65 : i1 to i32
    %cond3A_67 = arith.constant 0 : i32
    %cond3A_68 = arith.cmpi ne, %convert_element_type3A_66, %cond3A_67 : i32
    scf.if %cond3A_68 {
      %get3A_69 = arith.constant 0 : index
      %get3A_70 = vector.load %arg5[%get3A_69] : memref<8192xf32, #tpu.memory_space<vmem>>, vector<8192xf32>
      %mul3A_71 = arith.constant 6.10351563E-5 : f32
      %mul3A_72 = vector.broadcast %mul3A_71 : f32 to vector<8192xf32>
      %mul3A_73 = arith.mulf %get3A_70, %mul3A_72 : vector<8192xf32>
      %add3A_74 = arith.constant 1.000000e-10 : f32
      %add3A_75 = vector.broadcast %add3A_74 : f32 to vector<8192xf32>
      %add3A_76 = arith.addf %mul3A_73, %add3A_75 : vector<8192xf32>
      %log3A = math.log %add3A_76 : vector<8192xf32>
      %mul3A_77 = arith.mulf %mul3A_73, %log3A : vector<8192xf32>
      %reduce_sum3A_78 = vector.shape_cast %mul3A_77 : vector<8192xf32> to vector<1x8192xf32>
      %reduce_sum3A_79 = arith.constant dense<0.000000e+00> : vector<1xf32>
      %reduce_sum3A_80 = vector.multi_reduction <add>, %reduce_sum3A_78, %reduce_sum3A_79 [1] : vector<1x8192xf32> to vector<1xf32>
      %reduce_sum3A_81 = vector.shape_cast %reduce_sum3A_80 : vector<1xf32> to vector<1x1xf32>
      %reduce_sum3A_82 = vector.extract %reduce_sum3A_81[0, 0] : f32 from vector<1x1xf32>
      %neg3A = arith.constant 0.000000e+00 : f32
      %neg3A_83 = arith.subf %neg3A, %reduce_sum3A_82 : f32
      %exp3A = math.exp %neg3A_83 : f32
      %broadcast_in_dim3A_84 = vector.broadcast %exp3A : f32 to vector<1x1xf32>
      %swap3A_85 = arith.constant 0 : index
      %swap3A_86 = arith.constant 0 : index
      %swap3A_87 = vector.load %arg7[%swap3A_85, %swap3A_86] : memref<1x1xf32, #tpu.memory_space<vmem>>, vector<1x1xf32>
      tpu.vector_store %arg7[%swap3A_85, %swap3A_86], %broadcast_in_dim3A_84 {strides = array<i32>} : memref<1x1xf32, #tpu.memory_space<vmem>>, vector<1x1xf32>,
      %get3A_88 = arith.constant 0 : index
      %get3A_89 = arith.constant 0 : index
      %get3A_90 = vector.load %arg6[%get3A_88, %get3A_89] : memref<1x1xf32, #tpu.memory_space<vmem>>, vector<1x1xf32>
      %div3A = arith.constant 5.242880e+05 : f32
      %div3A_91 = vector.broadcast %div3A : f32 to vector<1x1xf32>
      %div3A_92 = arith.divf %get3A_90, %div3A_91 : vector<1x1xf32>
      %mul3A_93 = arith.constant 2.500000e-01 : f32
      %mul3A_94 = vector.broadcast %mul3A_93 : f32 to vector<1x1xf32>
      %mul3A_95 = arith.mulf %mul3A_94, %div3A_92 : vector<1x1xf32>
      %add3A_96 = arith.addf %div3A_92, %mul3A_95 : vector<1x1xf32>
      %swap3A_97 = arith.constant 0 : index
      %swap3A_98 = arith.constant 0 : index
      %swap3A_99 = vector.load %arg6[%swap3A_97, %swap3A_98] : memref<1x1xf32, #tpu.memory_space<vmem>>, vector<1x1xf32>
      tpu.vector_store %arg6[%swap3A_97, %swap3A_98], %add3A_96 {strides = array<i32>} : memref<1x1xf32, #tpu.memory_space<vmem>>, vector<1x1xf32>,
    } else {
    }
    return
  }
  func.func @transform_0(%arg0: i32) -> i32 {
    %c0_i32 = arith.constant 0 : i32
    return %arg0 : i32
  }
  func.func @transform_1(%arg0: i32) -> (i32, i32) {
    %c0_i32 = arith.constant 0 : i32
    %c0_i32_0 = arith.constant 0 : i32
    return %arg0, %c0_i32 : i32, i32
  }
  func.func @transform_2(%arg0: i32) -> (i32, i32) {
    %c0_i32 = arith.constant 0 : i32
    %c0_i32_0 = arith.constant 0 : i32
    return %arg0, %c0_i32 : i32, i32
  }
  func.func @transform_3(%arg0: i32) -> (i32, i32) {
    %c0_i32 = arith.constant 0 : i32
    %c0_i32_0 = arith.constant 0 : i32
    return %arg0, %c0_i32 : i32, i32
  }
  func.func @transform_4(%arg0: i32) -> i32 {
    %c0_i32 = arith.constant 0 : i32
    %c0_i32_0 = arith.constant 0 : i32
    return %c0_i32 : i32
  }
  func.func @transform_5(%arg0: i32) -> (i32, i32) {
    %c0_i32 = arith.constant 0 : i32
    %c0_i32_0 = arith.constant 0 : i32
    %c0_i32_1 = arith.constant 0 : i32
    return %c0_i32, %c0_i32_0 : i32, i32
  }
  func.func @transform_6(%arg0: i32) -> (i32, i32) {
    %c0_i32 = arith.constant 0 : i32
    %c0_i32_0 = arith.constant 0 : i32
    %c0_i32_1 = arith.constant 0 : i32
    return %c0_i32, %c0_i32_0 : i32, i32
  }
}

</mosaic_0001>

<sc_bundles>
// kernel: kernel.5.cloned.1.call-start
scs
__scs_entry_jumppad:
0x0: {  	(pc) =	sbr.rel $0x88, $3  }
0x1: {  	(tag) =	ssettag $0x0;
	lr =	simm.s32 $0x1  }
0x2: {  	[smem:$0x3F9F] =	sst lr;
	_ =	strace $0xD0000000  }
0x3: {  	_ = 	snop  }
0x4: {  	_ = 	snop  }
0x5: {  	_ = 	snop  }
0x6: {  	_ = 	snop  }
0x7: {  	_ = 	snop  }
__scs_overlays_trampoline_lowered:
0x8: {  	[smem:$0x3FAE] =	sst s0  }
0x9: {  	[smem:$0x3FAF] =	sst s1  }
0xa: {  	[smem:$0x3FB0] =	sst s2  }
0xb: {  	[smem:$0x3FB1] =	sst s3  }
0xc: {  	[smem:$0x3FB2] =	sst s4  }
0xd: {  	[smem:$0x3FB3] =	sst s5  }
0xe: {  	[smem:$0x3FB4] =	sst s6  }
0xf: {  	[smem:$0x3FB5] =	sst s7  }
0x10: {  	[smem:$0x3FB6] =	sst s8  }
0x11: {  	[smem:$0x3FB7] =	sst s9;
	s0 =	simm.s32 @!p0 $0x0  }
0x12: {  	s1 =	sld [smem:$0x3F9D];
	s0 =	simm.s32 @p0 $0x1  }
0x13: {  	[smem:$0x3FB8] =	sst s0;
	s0 =	simm.s32 @!p1 $0x0  }
0x14: {  	s2 =	sld [smem:$0x3F9C];
	s0 =	simm.s32 @p1 $0x1  }
0x15: {  	[smem:$0x3FB9] =	sst s0;
	s0 =	simm.s32 @!p2 $0x0  }
0x16: {  	s3 =	sld [smem:$0x3FDB];
	s0 =	simm.s32 @p2 $0x1  }
0x17: {  	s4 =	simm.s32 $0x1BF5;
	[smem:$0x3FBB] =	sst s0  }
0x18: {  	s0 =	sld [smem:$0x3F9E];
	_ =	swait.ge [sflag:s4], $0x0  }
0x19: {  	s7 =	sld [smem:$0x3F9F]  }
0x1a: {  	s8 =	sadd.s32 $0xFFFFE003, lr  }
0x1b: {  	s9 =	sadd.s32 $0xFFFFFEF7, lr;
	s5 =	simm.s32 $0xFFFFFFFF;
	p2 =	slt.u32 s8, $0xFFFFF086  }
0x1c: {  	p1 =	slt.u32 s9, $0xF7A;
	s5 =	simm.s32 @!p2 $0x0  }
0x1d: {  	s5 =	simm.s32 @p1 $0x1;
	p0 =	seq.s32 s7, s2  }
0x1e: {  	s7 =	smul.u32 @!p0 $0xF7A, s2;
	p2 =	seq.s32 @!p0 s5, $0x0  }
0x1f: {  	s9 =	smul.u32 $0xF7A, s1;
	s8 =	simm.s32 @!p0 $0x1BF5;
	p2 =	por !p2, p0  }
0x20: {  	[sflag:s8] =	ssyncset.s32 @!p0 $0xFFFFF086;
	s6 =	sadd.s32 @!p0 s3, s7;
	s7 =	simm.s32 @!p0 $0x108  }
0x21: {  	s3 =	sadd.s32 s3, s9;
	s6 =	sadd.s32 @!p0 $0x88, s6;
	s7 =	simm.s32 @p2 $0x1082  }
0x22: {  	[simem:s7], [sflag:s8] =	dma.local @!p0 [hbm:s6], $0xF7A  }
0x23: {  	s9 =	sor.u32 $0xD0000000, s2;
	s6 =	simm.s32 $0x108;
	_ =	swait.ge @!p0 [sflag:s8], $0x0  }
0x24: {  	s3 =	sadd.s32 $0x88, s3;
	s6 =	simm.s32 @!p1 $0x1082;
	[sflag:s4] =	ssyncset.s32 $0xFFFFF086  }
0x25: {  	[simem:s6], [sflag:s4] =	dma.local [hbm:s3], $0xF7A  }
0x26: {  	[smem:$0x3F9F] =	sst s1;
	(tag) =	ssettag s2;
	_ =	strace s9  }
0x27: {  	s1 =	sld [smem:$0x3FAF]  }
0x28: {  	s2 =	sld [smem:$0x3FB0]  }
0x29: {  	s4 =	sld [smem:$0x3FB2]  }
0x2a: {  	p0 =	seq.s32 s5, $0x0;
	s5 =	sld [smem:$0x3FB3]  }
0x2b: {  	s6 =	sld [smem:$0x3FB4]  }
0x2c: {  	s7 =	sld [smem:$0x3FB5]  }
0x2d: {  	s3 =	simm.s32 $0x108;
	s8 =	sld [smem:$0x3FB6]  }
0x2e: {  	s3 =	simm.s32 @!p0 $0x1082;
	s9 =	sld [smem:$0x3FB7]  }
0x2f: {  	lr =	sadd.s32 s0, s3;
	s0 =	sld [smem:$0x3FAE]  }
0x30: {  	s3 =	sld [smem:$0x3FB1]  }
0x31: {  	[smem:$0x3FBA] =	sst s10  }
0x32: {  	s10 =	sld [smem:$0x3FB8];
	_ =	sdelay $0x3  }
0x33: {  	p0 =	seq.s32 s10, $0x1;
	s10 =	sld [smem:$0x3FBA];
	_ =	sdelay $0x3  }
0x34: {  	[smem:$0x3FBA] =	sst s10  }
0x35: {  	s10 =	sld [smem:$0x3FB9];
	_ =	sdelay $0x3  }
0x36: {  	p1 =	seq.s32 s10, $0x1;
	s10 =	sld [smem:$0x3FBA];
	_ =	sdelay $0x3  }
0x37: {  	[smem:$0x3FBA] =	sst s10  }
0x38: {  	s10 =	sld [smem:$0x3FBB]  }
0x39: {  	_ = 	snop;
	(pc) =	sbr.ind lr, $3  }
0x3a: {  	_ = 	snop  }
0x3b: {  	_ = 	snop  }
0x3c: {  	p2 =	seq.s32 s10, $0x1;
	s10 =	sld [smem:$0x3FBA]  }
0x3d: {  	_ =	shalt  }
0x3e: {  	_ =	shalt  }
0x3f: {  	_ =	shalt  }
0x40: {  	_ =	shalt  }
0x41: {  	_ =	shalt  }
0x42: {  	_ =	shalt  }
0x43: {  	_ =	shalt  }
0x44: {  	_ =	shalt  }
0x45: {  	_ =	shalt  }
0x46: {  	_ =	shalt  }
0x47: {  	_ =	shalt  }
0x48: {  	_ =	shalt  }
0x49: {  	_ =	shalt  }
0x4a: {  	_ =	shalt  }
0x4b: {  	_ =	shalt  }
0x4c: {  	_ =	shalt  }
0x4d: {  	_ =	shalt  }
0x4e: {  	_ =	shalt  }
0x4f: {  	_ =	shalt  }
0x50: {  	_ =	shalt  }
0x51: {  	_ =	shalt  }
0x52: {  	_ =	shalt  }
0x53: {  	_ =	shalt  }
0x54: {  	_ =	shalt  }
0x55: {  	_ =	shalt  }
0x56: {  	_ =	shalt  }
0x57: {  	_ =	shalt  }
0x58: {  	_ =	shalt  }
0x59: {  	_ =	shalt  }
0x5a: {  	_ =	shalt  }
0x5b: {  	_ =	shalt  }
0x5c: {  	_ =	shalt  }
0x5d: {  	_ =	shalt  }
0x5e: {  	_ =	shalt  }
0x5f: {  	_ =	shalt  }
0x60: {  	_ =	shalt  }
0x61: {  	_ =	shalt  }
0x62: {  	_ =	shalt  }
0x63: {  	_ =	shalt  }
0x64: {  	_ =	shalt  }
0x65: {  	_ =	shalt  }
0x66: {  	_ =	shalt  }
0x67: {  	_ =	shalt  }
0x68: {  	_ =	shalt  }
0x69: {  	_ =	shalt  }
0x6a: {  	_ =	shalt  }
0x6b: {  	_ =	shalt  }
0x6c: {  	_ =	shalt  }
0x6d: {  	_ =	shalt  }
0x6e: {  	_ =	shalt  }
0x6f: {  	_ =	shalt  }
0x70: {  	_ =	shalt  }
0x71: {  	_ =	shalt  }
0x72: {  	_ =	shalt  }
0x73: {  	_ =	shalt  }
0x74: {  	_ =	shalt  }
0x75: {  	_ =	shalt  }
0x76: {  	_ =	shalt  }
0x77: {  	_ =	shalt  }
0x78: {  	_ =	shalt  }
0x79: {  	_ =	shalt  }
0x7a: {  	_ =	shalt  }
0x7b: {  	_ =	shalt  }
0x7c: {  	_ =	shalt  }
0x7d: {  	_ =	shalt  }
0x7e: {  	_ =	shalt  }
0x7f: {  	_ =	shalt  }
0x80: {  	_ =	shalt  }
0x81: {  	_ =	shalt  }
0x82: {  	_ =	shalt  }
0x83: {  	_ =	shalt  }
0x84: {  	_ =	shalt  }
0x85: {  	_ =	shalt  }
0x86: {  	_ =	shalt  }
0x87: {  	_ =	shalt  }
.Lfunc_end0:
.L_simem_size_0:
called_computation_lowered:
.L_overlay_start_0:
0x88: {  	s2 =	sld [smem:$0x3FD9]  }
0x89: {  	s3 =	sld [smem:$0x3FFE];
	_ =	sdelay $0x1  }
0x8a: {  	s1 =	srdreg.scid  }
0x8b: {  	s0 =	sand.u32 $0x1, s1  }
0x8c: {  	s14 =	sshll.u32 s0, $0xA;
	s2 =	sadd.s32 s3, s2  }
0x8d: {  	s2 =	sadd.s32 s2, s14  }
0x8e: {  	[smem:$0x3FC6] =	sst s2  }
0x8f: {  	_ = 	snop  }
0x90: {  	s2 =	sld [smem:$0x3FD0];
	_ =	sdelay $0x2  }
0x91: {  	s15 =	simm.s32 $0xA;
	s4 =	simm.s32 $0x10  }
0x92: {  	[smem:s4], [sflag:s15] =	dma.local [hbm:s2], $0x1  }
0x93: {  	_ =	swait.eq [sflag:s15], $0x1  }
0x94: {  	[sflag:s15] =	ssyncset.done $0x0  }
0x95: {  	s16 =	sld [smem:$0x11];
	[sflag:s15] =	ssyncadd.s32 $0xFFFFFFFF  }
0x96: {  	s17 =	sld [smem:$0x12];
	(tm) =	ssettm $0x1  }
0x97: {  	s18 =	sld [smem:$0x3FFB];
	_ =	sdelay $0x3  }
0x98: {  	_ =	strace s18  }
0x99: {  	s4 =	sld [smem:$0x3FFC];
	_ =	sdelay $0x3  }
0x9a: {  	_ =	strace s4  }
0x9b: {  	s4 =	sld [smem:$0x3FFD];
	_ =	sdelay $0x3  }
0x9c: {  	_ =	strace s4  }
0x9d: {  	_ =	strace $0x8FFFFFFF  }
0x9e: {  	s19 =	sld [smem:$0x3FDB];
	_ =	sdelay $0x1  }
0x9f: {  	s5 =	simm.s32 $_scs_section_size  }
0xa0: {  	s6 =	simm.s32 $_size__tile_overlayer_lowered;
	s7 =	simm.s32 $_tile_overlayer_lowered  }
0xa1: {  	s22 =	simm.s32 $0x1BFF;
	s21 =	sshll.u32 s7, $0x1;
	s4 =	sadd.s32 s5, s19  }
0xa2: {  	s8 =	simm.s32 $0x0;
	s20 =	sshll.u32 s6, $0x1;
	s6 =	sadd.s32 s21, s4  }
0xa3: {  	[timem:s8], [sflag:s22] =	dma.local [hbm:s6], s20  }
0xa4: {  	_ =	swait.ge [sflag:s22], s20  }
0xa5: {  	s5 =	ssub.s32 $0x0, s20;
	[sflag:s22] =	ssyncset.done $0x0  }
0xa6: {  	[sflag:s22] =	ssyncadd.s32 s5;
	_ =	sdelay $0x1  }
0xa7: {  	s23 =	simm.s32 $0x1B8B  }
0xa8: {  	_ =	swait.ge [sflag:s23], $0x1  }
0xa9: {  	[sflag:s23] =	ssyncset.done $0x0  }
0xaa: {  	s25 =	simm.s32 $0x1B8E;
	s24 =	sld [smem:$0x3FFE];
	[sflag:s23] =	ssyncadd.s32 $0xFFFFFFFF  }
0xab: {  	s26 =	simm.s32 $execute0_lowered;
	[smem:$0x3FD2] =	sst s25  }
0xac: {  	s6 =	sshll.u32 s26, $0x1;
	_ =	strace $0x80000046;
	[dreg:$0x1] =	wrdreg $0xFFFFFFFF  }
0xad: {  	s28 =	simm.s32 $_size_execute0_lowered;
	s4 =	sadd.s32 s4, s6;
	[dreg:$0x0] =	wrdreg $0x0  }
0xae: {  	s6 =	sshll.u32 s28, $0x1;
	[dreg:$0x2] =	wrdreg s4  }
0xaf: {  	[dreg:$0x3] =	wrdreg s6  }
0xb0: {  	[dreg:$0x4] =	wrdreg $0xC0  }
0xb1: {  	_ =	task [dreg:s8], $0x5FFFF  }
0xb2: {  	[dreg:$0x1] =	wrdreg $0xFFFFFFFF  }
0xb3: {  	[dreg:$0x0] =	wrdreg $0x60  }
0xb4: {  	[dreg:$0x2] =	wrdreg s17  }
0xb5: {  	[dreg:$0x3] =	wrdreg s24  }
0xb6: {  	[dreg:$0x4] =	wrdreg s16  }
0xb7: {  	[dreg:$0x5] =	wrdreg $0x9  }
0xb8: {  	_ =	task.clear_ibuf [dreg:s8], $0x6FFFF;
	_ =	strace $0x90000046  }
0xb9: {  	s29 =	simm.s32 $0x9;
	_ =	strace $0x80000048  }
0xba: {  	_ =	swait.ge [sflag:s29], $0x1  }
0xbb: {  	[sflag:s29] =	ssyncadd.s32 $0xFFFFFFFF  }
0xbc: {  	_ =	strace $0x90000048  }
0xbd: {  	_ =	sfence  }
0xbe: {  	s30 =	sld [smem:$0x0];
	_ =	sdelay $0x2  }
0xbf: {  	s31 =	sshll.u32 s1, $0xD;
	s1 =	sshrl.u32 s1, $0x2  }
0xc0: {  	s3 =	sand.u32 $0x4000, s31;
	s1 =	sadd.s32 s1, s30  }
0xc1: {  	s0 =	sor.u32 s3, s0;
	s1 =	sshll.u32 s1, $0x11  }
0xc2: {  	s0 =	sor.u32 s1, s0  }
0xc3: {  	s0 =	sadd.s32 $0x8F2B, s0  }
0xc4: {  	[sflag:s0] =	ssyncadd.remote.s32 $0x1  }
0xc5: {  	_ =	sfence.sel $0xFFFF  }
0xc6: {  	[dreg:$0x0] =	wrdreg $0xFFFFFFFF;
	(pc) =	sbr.abs _section_cstart, $3  }
0xc7: {  	[dreg:$0x1] =	wrdreg $0xFFFFFFFF  }
0xc8: {  	_ =	task.clear_ibuf [dreg:s8], $0x2FFFF;
	_ =	strace $0x9FFFFFFF  }
0xc9: {  	(tm) =	ssettm $0x7FFFFFFF  }
tec
execute0_lowered:
.L_overlay_start_1:
0x0: {  	(tag) =	ssettag $0x1  }
0x1: {  	s3 =	rddreg [dreg:$0x0]  }
0x2: {  	s4 =	rddreg [dreg:$0x1]  }
0x3: {  	s5 =	rddreg [dreg:$0x2];
	s1 =	srdreg.scid  }
0x4: {  	s0 =	rddreg [dreg:$0x3];
	s2 =	simm.s32 $0x0;
	s6 =	sand.u32 $0x1, s1  }
0x5: {  	s1 =	stileid.u32;
	[smem:$0x7FF] =	sst s2;
	s7 =	sshll.u32 s6, $0x6  }
0x6: {  	s8 =	sshll.u32 s1, $0x7;
	_ =	strace $0x80000047;
	s3 =	sadd.s32 s3, s7  }
0x7: {  	s29 =	ssub.s32 $0x2, s6;
	s16 =	sadd.s32 s8, s3;
	s3 =	simm.s32 $0x2  }
0x8: {  	[tilespmem:s2], [sflag:$0x2] =	stream.linear.gather [hbm4b:s16+s2], $0x200, $0x38;
	[tilespmem:$0x10400] =	vst v63  }
0x9: {  	s30 =	sshrl.u32 s29, $0x1;
	_ =	swait.ge [sflag:s3], $0x200  }
0xa: {  	s7 =	ssub.s32 s29, s30;
	[sflag:s3] =	ssyncset.done $0x0  }
0xb: {  	s17 =	smax.u32 s7, $0x1;
	[sflag:s3] =	ssyncadd.s32 $0xFFFFFE00  }
0xc: {  	s11 =	simm.s32 $0x200;
	s12 =	simm.s32 $0x280;
	p0 =	sne.s32 s17, $0x1;
	v0 =	vld [tilespmem:$0x180]  }
.Ltmp0:
0xd: {  	s15 =	simm.s32 $0x4400;
	s9 =	simm.s32 $0x300;
	v2 =	vld [tilespmem:$0x1B0];
	(pc) =	sbr.rel @!p0 .LBB2_2-.Ltmp0, $4  }
0xe: {  	s13 =	simm.s32 $0x8400;
	s10 =	simm.s32 $0x380;
	s6 =	sshll.u32 s6, $0xD;
	v3 =	vld [tilespmem:$0x1A0]  }
0xf: {  	s14 =	simm.s32 $0xC400;
	s31 =	sshll.u32 s1, $0xE;
	s6 =	sadd.s32 s5, s6;
	v4 =	vld [tilespmem:$0x190]  }
0x10: {  	s5 =	sadd.s32 $0x800, s4;
	s4 =	sadd.s32 s31, s6;
	s6 =	simm.s32 $0x400;
	v5 =	vld [tilespmem:$0x160]  }
0x11: {  	s8 =	simm.s32 $0x1;
	s7 =	simm.s32 $0x80;
	s17 =	sadd.s32 $0xFFFFFFFF, s17;
	v1 =	vld [tilespmem:$0x170]  }
.LBB2_1:
0x12: {  	p0 =	sne.s32 s17, $0x1;
	s17 =	sadd.s32 $0xFFFFFFFF, s17;
	v6 =	vld [tilespmem:$0x20]  }
0x13: {  	v7 =	vld [tilespmem:$0xF0]  }
0x14: {  	v8 =	vld [tilespmem:$0x0]  }
0x15: {  	v5 =	vshra.s32 v5, $0x2;
	v9 =	vld [tilespmem:$0x1D0]  }
0x16: {  	v4 =	vshra.s32 v4, $0x2;
	[tilespmem:$0x360] =	vst v5;
	v5 =	vld [tilespmem:$0x1E0]  }
0x17: {  	v3 =	vshra.s32 v3, $0x2;
	v6 =	vshra.s32 v6, $0x2;
	[tilespmem:$0x390] =	vst v4;
	v4 =	vld [tilespmem:$0x1F0]  }
0x18: {  	v2 =	vshra.s32 v2, $0x2;
	[tilespmem:$0x220] =	vst v6;
	v6 =	vshra.s32 v7, $0x2;
	v7 =	vld [tilespmem:$0x130]  }
0x19: {  	v8 =	vshra.s32 v8, $0x2;
	[tilespmem:$0x2F0] =	vst v6;
	v6 =	vld [tilespmem:$0x1C0]  }
0x1a: {  	v10 =	vld [tilespmem:$0x40];
	[tilespmem:$0x3A0] =	vst v3;
	v3 =	vshra.s32 v9, $0x2  }
0x1b: {  	v1 =	vshra.s32 v1, $0x2;
	v9 =	vld [tilespmem:$0x150];
	[tilespmem:$0x3B0] =	vst v2;
	v2 =	vshra.s32 v5, $0x2  }
0x1c: {  	v0 =	vshra.s32 v0, $0x2;
	v5 =	vld [tilespmem:$0x140];
	[tilespmem:$0x3D0] =	vst v3;
	v3 =	vshra.s32 v4, $0x2  }
0x1d: {  	v4 =	vld [tilespmem:$0xB0];
	v7 =	vshra.s32 v7, $0x2;
	[tilespmem:$0x3F0] =	vst v3  }
0x1e: {  	[tilespmem:$0x200] =	vst v8;
	v3 =	vld [tilespmem:$0x50];
	v6 =	vshra.s32 v6, $0x2  }
0x1f: {  	v8 =	vshra.s32 v10, $0x2;
	v10 =	vld [tilespmem:$0x60];
	[tilespmem:$0x3C0] =	vst v6  }
0x20: {  	v6 =	vld [tilespmem:$0x70];
	[tilespmem:$0x330] =	vst v7;
	v7 =	vshra.s32 v9, $0x2  }
0x21: {  	v9 =	vld [tilespmem:$0x80];
	v5 =	vshra.s32 v5, $0x2;
	[tilespmem:$0x350] =	vst v7  }
0x22: {  	v4 =	vshra.s32 v4, $0x2;
	v7 =	vld [tilespmem:$0x120];
	[tilespmem:$0x340] =	vst v5  }
0x23: {  	v3 =	vshra.s32 v3, $0x2;
	v5 =	vld [tilespmem:$0x90];
	[tilespmem:$0x2B0] =	vst v4  }
0x24: {  	v4 =	vshra.s32 v10, $0x2;
	v10 =	vld [tilespmem:$0x110];
	[tilespmem:$0x3E0] =	vst v2  }
0x25: {  	v2 =	vshra.s32 v6, $0x2;
	v6 =	vld [tilespmem:$0xA0];
	[tilespmem:$0x380] =	vst v0  }
0x26: {  	v0 =	vshra.s32 v9, $0x2;
	v9 =	vld [tilespmem:$0x100];
	[tilespmem:$0x370] =	vst v1  }
0x27: {  	[tilespmem:$0x240] =	vst v8;
	v1 =	vld [tilespmem:$0xE0];
	v7 =	vshra.s32 v7, $0x2  }
0x28: {  	v8 =	vld [tilespmem:$0x30];
	v5 =	vshra.s32 v5, $0x2;
	[tilespmem:$0x320] =	vst v7  }
0x29: {  	[tilespmem:$0x250] =	vst v3;
	v3 =	vld [tilespmem:$0xC0];
	v7 =	vshra.s32 v10, $0x2  }
0x2a: {  	v10 =	vld [tilespmem:$0x10];
	v6 =	vshra.s32 v6, $0x2;
	[tilespmem:$0x310] =	vst v7  }
0x2b: {  	[tilespmem:$0x260] =	vst v4;
	v4 =	vshra.s32 v9, $0x2  }
0x2c: {  	v7 =	vld [tilespmem:$0xD0];
	v1 =	vshra.s32 v1, $0x2;
	[tilespmem:$0x300] =	vst v4  }
0x2d: {  	v4 =	vshra.s32 v8, $0x2;
	[tilespmem:$0x2E0] =	vst v1  }
0x2e: {  	[tilespmem:$0x280] =	vst v0;
	v0 =	vshra.s32 v3, $0x2  }
0x2f: {  	v1 =	vshra.s32 v10, $0x2;
	[tilespmem:$0x290] =	vst v5  }
0x30: {  	[tilespmem:$0x210] =	vst v1  }
0x31: {  	[tilespmem:$0x2A0] =	vst v6;
	v1 =	vshra.s32 v7, $0x2  }
0x32: {  	[tilespmem:$0x270] =	vst v2  }
0x33: {  	[tilespmem:$0x2C0] =	vst v0  }
0x34: {  	[tilespmem:$0x230] =	vst v4  }
0x35: {  	[tilespmem:$0x2D0] =	vst v1  }
0x36: {  	[tilespmem:s6], [sflag:$0x1] =	stream.indirect.gather [hbm4b:s5+s7], $0x80, s11, s7, $0xb8;
	[tilespmem:$0x10400] =	vst v63  }
0x37: {  	_ =	swait.ge [sflag:s8], $0x4000  }
0x38: {  	[sflag:s8] =	ssyncset.done $0x0  }
0x39: {  	[sflag:s8] =	ssyncadd.s32 $0xFFFFC000  }
0x3a: {  	[tilespmem:s15], [sflag:$0x1] =	stream.indirect.gather [hbm4b:s5+s7], $0x80, s12, s7, $0xb8;
	[tilespmem:$0x10400] =	vst v63  }
0x3b: {  	_ =	swait.ge [sflag:s8], $0x4000  }
0x3c: {  	[sflag:s8] =	ssyncset.done $0x0  }
0x3d: {  	[sflag:s8] =	ssyncadd.s32 $0xFFFFC000  }
0x3e: {  	[tilespmem:s13], [sflag:$0x1] =	stream.indirect.gather [hbm4b:s5+s7], $0x80, s9, s7, $0xb8;
	[tilespmem:$0x10400] =	vst v63  }
0x3f: {  	_ =	swait.ge [sflag:s8], $0x4000  }
0x40: {  	[sflag:s8] =	ssyncset.done $0x0  }
0x41: {  	[sflag:s8] =	ssyncadd.s32 $0xFFFFC000  }
0x42: {  	[tilespmem:s14], [sflag:$0x1] =	stream.indirect.gather [hbm4b:s5+s7], $0x80, s10, s7, $0xb8;
	[tilespmem:$0x10400] =	vst v63  }
0x43: {  	_ =	swait.ge [sflag:s8], $0x4000  }
0x44: {  	[sflag:s8] =	ssyncset.done $0x0  }
0x45: {  	[sflag:s8] =	ssyncadd.s32 $0xFFFFC000  }
0x46: {  	[hbm4b:s4+s2] =	stream.linear.scatter [tilespmem:s6], [sflag:$0x2], $0x10000, $0x38;
	[tilespmem:$0x10400] =	vst v63  }
0x47: {  	_ =	swait.ge [sflag:s3], $0x10000  }
0x48: {  	[sflag:s3] =	ssyncset.done $0x0  }
0x49: {  	[sflag:s3] =	ssyncadd.s32 $0xFFFF0000  }
0x4a: {  	[tilespmem:s2], [sflag:$0x2] =	stream.linear.gather [hbm4b:s16+s2], $0x200, $0x38;
	[tilespmem:$0x10400] =	vst v63  }
0x4b: {  	_ =	swait.ge [sflag:s3], $0x200  }
0x4c: {  	[sflag:s3] =	ssyncset.done $0x0  }
0x4d: {  	[sflag:s3] =	ssyncadd.s32 $0xFFFFFE00  }
0x4e: {  	v0 =	vld [tilespmem:$0x180]  }
.Ltmp1:
0x4f: {  	v2 =	vld [tilespmem:$0x1B0];
	(pc) =	sbr.rel @p0 .LBB2_1-.Ltmp1, $4  }
0x50: {  	v3 =	vld [tilespmem:$0x1A0]  }
0x51: {  	v4 =	vld [tilespmem:$0x190]  }
0x52: {  	v5 =	vld [tilespmem:$0x160]  }
0x53: {  	v1 =	vld [tilespmem:$0x170]  }
.LBB2_2:
0x54: {  	v2 =	vshra.s32 v2, $0x2  }
0x55: {  	v6 =	vld [tilespmem:$0x20];
	v0 =	vshra.s32 v0, $0x2;
	[tilespmem:$0x3B0] =	vst v2  }
0x56: {  	v7 =	vld [tilespmem:$0xF0];
	v3 =	vshra.s32 v3, $0x2;
	[tilespmem:$0x380] =	vst v0  }
0x57: {  	v8 =	vld [tilespmem:$0x1D0];
	v4 =	vshra.s32 v4, $0x2;
	[tilespmem:$0x3A0] =	vst v3  }
0x58: {  	v23 =	vld [tilespmem:$0x1F0];
	v5 =	vshra.s32 v5, $0x2;
	[tilespmem:$0x390] =	vst v4  }
0x59: {  	v24 =	vld [tilespmem:$0x0];
	[tilespmem:$0x360] =	vst v5;
	v1 =	vshra.s32 v1, $0x2  }
0x5a: {  	v26 =	vld [tilespmem:$0x1C0];
	v22 =	vshra.s32 v6, $0x2;
	[tilespmem:$0x370] =	vst v1  }
0x5b: {  	v27 =	vld [tilespmem:$0x130];
	v25 =	vshra.s32 v7, $0x2;
	[tilespmem:$0x220] =	vst v22  }
0x5c: {  	v29 =	vld [tilespmem:$0x150];
	v28 =	vshra.s32 v8, $0x2;
	[tilespmem:$0x2F0] =	vst v25  }
0x5d: {  	v30 =	vld [tilespmem:$0x140];
	v31 =	vshra.s32 v23, $0x2;
	[tilespmem:$0x3D0] =	vst v28  }
0x5e: {  	v33 =	vld [tilespmem:$0xB0];
	v32 =	vshra.s32 v24, $0x2;
	[tilespmem:$0x3F0] =	vst v31  }
0x5f: {  	v34 =	vld [tilespmem:$0x1E0];
	v35 =	vshra.s32 v26, $0x2;
	[tilespmem:$0x200] =	vst v32  }
0x60: {  	v38 =	vld [tilespmem:$0x40];
	v36 =	vshra.s32 v27, $0x2;
	[tilespmem:$0x3C0] =	vst v35  }
0x61: {  	v40 =	vld [tilespmem:$0x120];
	v37 =	vshra.s32 v29, $0x2;
	[tilespmem:$0x330] =	vst v36  }
0x62: {  	v42 =	vld [tilespmem:$0x50];
	v2 =	vshra.s32 v30, $0x2;
	[tilespmem:$0x350] =	vst v37  }
0x63: {  	v43 =	vld [tilespmem:$0x110];
	v39 =	vshra.s32 v33, $0x2;
	[tilespmem:$0x340] =	vst v2  }
0x64: {  	v46 =	vld [tilespmem:$0x100];
	v41 =	vshra.s32 v34, $0x2;
	[tilespmem:$0x2B0] =	vst v39  }
0x65: {  	v47 =	vld [tilespmem:$0xE0];
	v45 =	vshra.s32 v38, $0x2;
	[tilespmem:$0x3E0] =	vst v41  }
0x66: {  	v49 =	vld [tilespmem:$0x80];
	v48 =	vshra.s32 v40, $0x2;
	[tilespmem:$0x240] =	vst v45  }
0x67: {  	v50 =	vld [tilespmem:$0x90];
	v3 =	vshra.s32 v42, $0x2;
	[tilespmem:$0x320] =	vst v48  }
0x68: {  	v52 =	vld [tilespmem:$0x10];
	v51 =	vshra.s32 v43, $0x2;
	[tilespmem:$0x250] =	vst v3  }
0x69: {  	v53 =	vld [tilespmem:$0xA0];
	v54 =	vshra.s32 v46, $0x2;
	[tilespmem:$0x310] =	vst v51  }
0x6a: {  	v55 =	vld [tilespmem:$0x70];
	v0 =	vshra.s32 v47, $0x2;
	[tilespmem:$0x300] =	vst v54  }
0x6b: {  	v57 =	vld [tilespmem:$0xC0];
	v56 =	vshra.s32 v49, $0x2;
	[tilespmem:$0x2E0] =	vst v0  }
0x6c: {  	v59 =	vld [tilespmem:$0xD0];
	v1 =	vshra.s32 v50, $0x2;
	[tilespmem:$0x280] =	vst v56  }
0x6d: {  	v44 =	vld [tilespmem:$0x60];
	v4 =	vshra.s32 v52, $0x2;
	[tilespmem:$0x290] =	vst v1  }
0x6e: {  	v58 =	vld [tilespmem:$0x30];
	v60 =	vshra.s32 v53, $0x2;
	[tilespmem:$0x210] =	vst v4  }
0x6f: {  	v61 =	vshra.s32 v55, $0x2;
	[tilespmem:$0x2A0] =	vst v60  }
0x70: {  	v62 =	vshra.s32 v57, $0x2;
	[tilespmem:$0x270] =	vst v61  }
0x71: {  	v63 =	vshra.s32 v59, $0x2;
	[tilespmem:$0x2C0] =	vst v62  }
0x72: {  	v2 =	vshra.s32 v44, $0x2;
	[tilespmem:$0x2D0] =	vst v63  }
0x73: {  	v0 =	vshra.s32 v58, $0x2;
	[tilespmem:$0x260] =	vst v2  }
0x74: {  	[tilespmem:$0x230] =	vst v0  }
0x75: {  	[tilespmem:s6], [sflag:$0x1] =	stream.indirect.gather [hbm4b:s5+s7], $0x80, s11, s7, $0xb8;
	[tilespmem:$0x10400] =	vst v63  }
0x76: {  	_ =	swait.ge [sflag:s8], $0x4000  }
0x77: {  	[sflag:s8] =	ssyncset.done $0x0  }
0x78: {  	[sflag:s8] =	ssyncadd.s32 $0xFFFFC000  }
0x79: {  	[tilespmem:s15], [sflag:$0x1] =	stream.indirect.gather [hbm4b:s5+s7], $0x80, s12, s7, $0xb8;
	[tilespmem:$0x10400] =	vst v63  }
0x7a: {  	_ =	swait.ge [sflag:s8], $0x4000  }
0x7b: {  	[sflag:s8] =	ssyncset.done $0x0  }
0x7c: {  	[sflag:s8] =	ssyncadd.s32 $0xFFFFC000  }
0x7d: {  	[tilespmem:s13], [sflag:$0x1] =	stream.indirect.gather [hbm4b:s5+s7], $0x80, s9, s7, $0xb8;
	[tilespmem:$0x10400] =	vst v63  }
0x7e: {  	_ =	swait.ge [sflag:s8], $0x4000  }
0x7f: {  	[sflag:s8] =	ssyncset.done $0x0  }
0x80: {  	[sflag:s8] =	ssyncadd.s32 $0xFFFFC000  }
0x81: {  	[tilespmem:s14], [sflag:$0x1] =	stream.indirect.gather [hbm4b:s5+s7], $0x80, s10, s7, $0xb8;
	[tilespmem:$0x10400] =	vst v63  }
0x82: {  	_ =	swait.ge [sflag:s8], $0x4000  }
0x83: {  	[sflag:s8] =	ssyncset.done $0x0  }
0x84: {  	[sflag:s8] =	ssyncadd.s32 $0xFFFFC000  }
0x85: {  	[hbm4b:s4+s2] =	stream.linear.scatter [tilespmem:s6], [sflag:$0x2], $0x10000, $0x38;
	[tilespmem:$0x10400] =	vst v63  }
0x86: {  	_ =	swait.ge [sflag:s3], $0x10000  }
0x87: {  	[sflag:s3] =	ssyncset.done $0x0  }
0x88: {  	[sflag:s3] =	ssyncadd.s32 $0xFFFF0000  }
0x89: {  	_ =	sfence.sel $0x180000  }
0x8a: {  	[bflag:$0x0] =	sbarrier.arrive $0xFFFF  }
0x8b: {  	p0 =	sne.s32 s1, $0x0;
	_ =	strace $0x90000047  }
0x8c: {  	s0 =	sadd.s32 @!p0 $0x100000, s0;
	[bflag:$0x2] =	sbarrier.arrive $0xFFFF  }
0x8d: {  	[sflag:s0] =	ssyncadd.tile.s32 @!p0 $0x1;
	_ =	shalt  }
.Lfunc_end2:
_tile_overlayer_lowered:
.L_overlay_start_2:
0x8e: {  	(tag) =	ssettag $0x2  }
0x8f: {  	s0 =	rddreg [dreg:$0x0];
	s2 =	stileid.u32  }
0x90: {  	s1 =	rddreg [dreg:$0x1];
	p0 =	sne.s32 s2, $0x0  }
0x91: {  	s3 =	rddreg [dreg:$0x2];
	[bflag:$0x3] =	sbarrier.arrive $0xFFFF;
	s2 =	simm.s32 @!p0 $0x1C02  }
0x92: {  	[timem:s3], [sflag:s2] =	dma.local @!p0 [hbm:s0], s1  }
0x93: {  	s0 =	simm.s32 @!p0 $0x2  }
0x94: {  	_ =	swait.ge @!p0 [sflag:s0], s1  }
0x95: {  	s1 =	ssub.s32 @!p0 $0x0, s1;
	[sflag:s0] =	ssyncset.done @!p0 $0x0  }
0x96: {  	[sflag:s0] =	ssyncadd.s32 @!p0 s1  }
0x97: {  	[bflag:$0x3] =	sbarrier.arrive $0xFFFF  }
0x98: {  	_ =	shalt  }

</sc_bundles>
